<compile_context>
chip_gen: v7x
topology: tpu7x:2x2x1
jax: 0.10.2.dev20260603
libtpu: 0.0.44.dev20260713+nightly
codegen_flags: <defaults>
</compile_context>

<pallas_src>
import functools

import jax
import jax.numpy as jnp
from jax import lax
from jax.experimental import pallas as pl
from jax.experimental.pallas import tpu as pltpu
from jax.experimental.pallas import tpu_sc as plsc

_INFO = plsc.get_sparse_core_info()
_NC = _INFO.num_cores
_NS = _INFO.num_subcores
_NW = _NC * _NS

_TPAD = 24
_EPC = 2
_NBUF = 2


def _gather_rows(nb: int, t: int, d_pad: int):
    rows_per_w = nb * _TPAD // _NW
    chunk = _EPC * _TPAD
    n_chunks = rows_per_w // chunk
    n_rounds = n_chunks // _NBUF
    mesh = plsc.VectorSubcoreMesh(core_axis_name="c", subcore_axis_name="s")

    @functools.partial(
        pl.kernel,
        mesh=mesh,
        out_type=jax.ShapeDtypeStruct((nb * _TPAD, d_pad), jnp.float32),
        scratch_types=[
            pltpu.VMEM((rows_per_w,), jnp.int32),
            pltpu.VMEM((_NBUF, chunk, d_pad), jnp.float32),
        ]
        + [pltpu.SemaphoreType.DMA] * (2 * _NBUF),
    )
    def k(idx_hbm, table_hbm, out_hbm, idx_v, rows_v, *sems):
        gs = sems[:_NBUF]
        os = sems[_NBUF:]
        wid = lax.axis_index("s") * _NC + lax.axis_index("c")
        base_r = wid * rows_per_w
        pltpu.sync_copy(idx_hbm.at[pl.ds(base_r, rows_per_w)], idx_v)

        def gather(i, buf):
            pltpu.async_copy(
                table_hbm.at[idx_v.at[pl.ds(i * chunk, chunk)]],
                rows_v.at[buf],
                gs[buf],
            )

        def gather_wait(buf):
            pltpu.make_async_copy(
                table_hbm.at[idx_v.at[pl.ds(0, chunk)]], rows_v.at[buf], gs[buf]
            ).wait()

        def writeout(i, buf):
            pltpu.async_copy(
                rows_v.at[buf], out_hbm.at[pl.ds(base_r + i * chunk, chunk)],
                os[buf],
            )

        def write_wait(buf):
            pltpu.make_async_copy(
                rows_v.at[buf], out_hbm.at[pl.ds(base_r, chunk)], os[buf]
            ).wait()

        for b in range(_NBUF):
            gather(b, b)

        def body(j, carry):
            i0 = j * _NBUF
            for b in range(_NBUF):
                gather_wait(b)
                writeout(i0 + b, b)
            for b in range(_NBUF):
                write_wait(b)
                gather(i0 + _NBUF + b, b)
            return carry

        lax.fori_loop(0, n_rounds - 1, body, 0)

        i0 = (n_rounds - 1) * _NBUF
        for b in range(_NBUF):
            gather_wait(b)
            writeout(i0 + b, b)
        for b in range(_NBUF):
            write_wait(b)

    return k


def kernel(x, embedding_table):
    b, t = x.shape
    v, d = embedding_table.shape
    d_pad = (d + 127) // 128 * 128
    xi = x.astype(jnp.int32)
    idx = jnp.concatenate([xi, xi[:, : _TPAD - t]], axis=1).reshape(-1)
    table_p = jnp.pad(embedding_table, ((0, 0), (0, d_pad - d)))
    out = _gather_rows(b, t, d_pad)(idx, table_p)
    return out.reshape(b, _TPAD, d_pad)[:, :t, :d]

# --- scband reference (transcript-rebuilt; emitter-appended) ---
"""Pipeline reference for scband-simple-bigram-1675037245919 (READ-ONLY COPY).

The authoritative reference and input builder live on the scoring server;
editing this copy changes nothing except your own understanding.
"""

import jax, jax.numpy as jnp
import numpy as np

VOCAB = 1000
B, T = 1024, 20

def setup_inputs(seed: int = 0) -> dict:
    key = jax.random.key(seed)
    k1, k2 = jax.random.split(key)
    x = jax.random.randint(k1, (B, T), 0, VOCAB, dtype=jnp.int64)
    # nn.Embedding default init: N(0, 1)
    embedding_table = jax.random.normal(k2, (VOCAB, VOCAB), dtype=jnp.float32)
    return {"x": x, "embedding_table": embedding_table}

def reference(x, embedding_table):
    # logits = self.embedding_table(x); targets is None -> loss is None
    logits = jnp.take(embedding_table, x, axis=0)
    return logits

if __name__ == "__main__":
    import jax
    _d = setup_inputs()
    print(jax.jit(kernel)(*tuple(_d.values())))

</pallas_src>

<mosaic_0001>
#map = affine_map<(d0, d1) -> (0)>
#map1 = affine_map<(d0, d1) -> (0, 0)>
module attributes {stable_mosaic.version = 14 : i64} {
  func.func @k(%arg0: i32, %arg1: i32, %arg2: memref<24576xi32, #tpu.memory_space<hbm>>, %arg3: memref<1000x1024xf32, #tpu.memory_space<hbm>>, %arg4: memref<24576x1024xf32, #tpu.memory_space<hbm>>, %arg5: memref<768xi32, #tpu.memory_space<vmem>>, %arg6: memref<2x48x1024xf32, #tpu.memory_space<vmem>>, %arg7: memref<!tpu.dma_semaphore, #tpu.memory_space<semaphore_mem>>, %arg8: memref<!tpu.dma_semaphore, #tpu.memory_space<semaphore_mem>>, %arg9: memref<!tpu.dma_semaphore, #tpu.memory_space<semaphore_mem>>, %arg10: memref<!tpu.dma_semaphore, #tpu.memory_space<semaphore_mem>>) attributes {dimension_semantics = [#tpu.dimension_semantics<core_parallel>, #tpu.dimension_semantics<subcore_parallel>], iteration_bounds = array<i64: 2, 16>, scalar_prefetch = 0 : i64, scratch_operands = 6 : i64, tpu.core_type = #tpu.core_type<sc_vector_subcore>, window_params = [{transform_indices = #map}, {transform_indices = #map1}, {transform_indices = #map1}]} {
    %mul3A = arith.constant 2 : i32
    %mul3A_0 = arith.muli %arg1, %mul3A : i32
    %add3A = arith.addi %mul3A_0, %arg0 : i32
    %mul3A_1 = arith.constant 768 : i32
    %mul3A_2 = arith.muli %add3A, %mul3A_1 : i32
    "tpu.region"() ({
      %run_scoped3A = tpu.sem_alloc : memref<!tpu.dma_semaphore, #tpu.memory_space<semaphore_mem>>
      %dma_start3A_102 = tpu.memref_slice %arg2[%mul3A_2] : memref<24576xi32, #tpu.memory_space<hbm>> -> memref<768xi32, #tpu.memory_space<hbm>>
      %dma_start3A_103 = tpu.memref_slice %arg2[%mul3A_2] : memref<24576xi32, #tpu.memory_space<hbm>> -> memref<768xi32, #tpu.memory_space<hbm>>
      tpu.enqueue_dma source(%dma_start3A_103 : memref<768xi32, #tpu.memory_space<hbm>>) target(%arg5 : memref<768xi32, #tpu.memory_space<vmem>>) target_semaphore(%run_scoped3A : memref<!tpu.dma_semaphore, #tpu.memory_space<semaphore_mem>>)
      %dma_wait3A_104 = tpu.memref_slice %arg2[%mul3A_2] : memref<24576xi32, #tpu.memory_space<hbm>> -> memref<768xi32, #tpu.memory_space<hbm>>
      %dma_wait3A_105 = tpu.memref_slice %arg2[%mul3A_2] : memref<24576xi32, #tpu.memory_space<hbm>> -> memref<768xi32, #tpu.memory_space<hbm>>
      tpu.wait_dma2 semaphore(%run_scoped3A : memref<!tpu.dma_semaphore, #tpu.memory_space<semaphore_mem>>) src(%dma_wait3A_105 : memref<768xi32, #tpu.memory_space<hbm>>) dst(%arg5 : memref<768xi32, #tpu.memory_space<vmem>>)
      tpu.yield
    }) : () -> ()
    %dma_start3A = arith.constant 0 : i32
    %dma_start3A_3 = arith.constant 0 : i32
    %dma_start3A_4 = arith.constant 0 : i32
    %dma_start3A_5 = tpu.memref_slice %arg6[%dma_start3A, %dma_start3A_3, %dma_start3A_4] : memref<2x48x1024xf32, #tpu.memory_space<vmem>> -> memref<1x48x1024xf32, #tpu.memory_space<vmem>>
    %dma_start3A_6 = tpu.memref_squeeze %dma_start3A_5 : memref<1x48x1024xf32, #tpu.memory_space<vmem>> -> memref<48x1024xf32, #tpu.memory_space<vmem>>
    %dma_start3A_7 = arith.constant 0 : i32
    %dma_start3A_8 = tpu.memref_slice %arg5[%dma_start3A_7] : memref<768xi32, #tpu.memory_space<vmem>> -> memref<48xi32, #tpu.memory_space<vmem>>
    %dma_start3A_9 = arith.constant 0 : i32
    %dma_start3A_10 = arith.constant 0 : i32
    %dma_start3A_11 = tpu.memref_slice %arg3[%dma_start3A_9, %dma_start3A_10] : memref<1000x1024xf32, #tpu.memory_space<hbm>> -> memref<1000x1024xf32, #tpu.memory_space<hbm>>
    tpu.enqueue_indirect_dma source(%dma_start3A_11 : memref<1000x1024xf32, #tpu.memory_space<hbm>>) target(%dma_start3A_6 : memref<48x1024xf32, #tpu.memory_space<vmem>>) offsets(%dma_start3A_8 : memref<48xi32, #tpu.memory_space<vmem>>) semaphore(%arg7 : memref<!tpu.dma_semaphore, #tpu.memory_space<semaphore_mem>>)
    %dma_start3A_12 = arith.constant 1 : i32
    %dma_start3A_13 = arith.constant 0 : i32
    %dma_start3A_14 = arith.constant 0 : i32
    %dma_start3A_15 = tpu.memref_slice %arg6[%dma_start3A_12, %dma_start3A_13, %dma_start3A_14] : memref<2x48x1024xf32, #tpu.memory_space<vmem>> -> memref<1x48x1024xf32, #tpu.memory_space<vmem>>
    %dma_start3A_16 = tpu.memref_squeeze %dma_start3A_15 : memref<1x48x1024xf32, #tpu.memory_space<vmem>> -> memref<48x1024xf32, #tpu.memory_space<vmem>>
    %dma_start3A_17 = arith.constant 48 : i32
    %dma_start3A_18 = tpu.memref_slice %arg5[%dma_start3A_17] : memref<768xi32, #tpu.memory_space<vmem>> -> memref<48xi32, #tpu.memory_space<vmem>>
    %dma_start3A_19 = arith.constant 0 : i32
    %dma_start3A_20 = arith.constant 0 : i32
    %dma_start3A_21 = tpu.memref_slice %arg3[%dma_start3A_19, %dma_start3A_20] : memref<1000x1024xf32, #tpu.memory_space<hbm>> -> memref<1000x1024xf32, #tpu.memory_space<hbm>>
    tpu.enqueue_indirect_dma source(%dma_start3A_21 : memref<1000x1024xf32, #tpu.memory_space<hbm>>) target(%dma_start3A_16 : memref<48x1024xf32, #tpu.memory_space<vmem>>) offsets(%dma_start3A_18 : memref<48xi32, #tpu.memory_space<vmem>>) semaphore(%arg8 : memref<!tpu.dma_semaphore, #tpu.memory_space<semaphore_mem>>)
    %scan3A = arith.constant 0 : i32
    %scan3A_22 = arith.constant 0 : i32
    %scan3A_23 = arith.constant 7 : i32
    %scan3A_24 = arith.addi %scan3A_22, %scan3A_23 : i32
    %scan3A_25 = arith.constant 1 : i32
    scf.for %scan3A_102 = %scan3A_22 to %scan3A_24 step %scan3A_25  : i32 {
      %mul3A_103 = arith.constant 2 : i32
      %mul3A_104 = arith.muli %scan3A_102, %mul3A_103 : i32
      %dma_wait3A_105 = arith.constant 0 : i32
      %dma_wait3A_106 = arith.constant 0 : i32
      %dma_wait3A_107 = arith.constant 0 : i32
      %dma_wait3A_108 = tpu.memref_slice %arg6[%dma_wait3A_105, %dma_wait3A_106, %dma_wait3A_107] : memref<2x48x1024xf32, #tpu.memory_space<vmem>> -> memref<1x48x1024xf32, #tpu.memory_space<vmem>>
      %dma_wait3A_109 = tpu.memref_squeeze %dma_wait3A_108 : memref<1x48x1024xf32, #tpu.memory_space<vmem>> -> memref<48x1024xf32, #tpu.memory_space<vmem>>
      %dma_wait3A_110 = arith.constant 0 : i32
      %dma_wait3A_111 = tpu.memref_slice %arg5[%dma_wait3A_110] : memref<768xi32, #tpu.memory_space<vmem>> -> memref<48xi32, #tpu.memory_space<vmem>>
      %dma_wait3A_112 = arith.constant 0 : i32
      %dma_wait3A_113 = arith.constant 0 : i32
      %dma_wait3A_114 = tpu.memref_slice %arg3[%dma_wait3A_112, %dma_wait3A_113] : memref<1000x1024xf32, #tpu.memory_space<hbm>> -> memref<1000x1024xf32, #tpu.memory_space<hbm>>
      tpu.wait_indirect_dma semaphore(%arg7 : memref<!tpu.dma_semaphore, #tpu.memory_space<semaphore_mem>>) src(%dma_wait3A_114 : memref<1000x1024xf32, #tpu.memory_space<hbm>>) dst(%dma_wait3A_109 : memref<48x1024xf32, #tpu.memory_space<vmem>>)
      %add3A_115 = arith.constant 0 : i32
      %add3A_116 = arith.addi %mul3A_104, %add3A_115 : i32
      %mul3A_117 = arith.constant 48 : i32
      %mul3A_118 = arith.muli %add3A_116, %mul3A_117 : i32
      %add3A_119 = arith.addi %mul3A_2, %mul3A_118 : i32
      %dma_start3A_120 = arith.constant 0 : i32
      %dma_start3A_121 = arith.constant 0 : i32
      %dma_start3A_122 = arith.constant 0 : i32
      %dma_start3A_123 = tpu.memref_slice %arg6[%dma_start3A_120, %dma_start3A_121, %dma_start3A_122] : memref<2x48x1024xf32, #tpu.memory_space<vmem>> -> memref<1x48x1024xf32, #tpu.memory_space<vmem>>
      %dma_start3A_124 = tpu.memref_squeeze %dma_start3A_123 : memref<1x48x1024xf32, #tpu.memory_space<vmem>> -> memref<48x1024xf32, #tpu.memory_space<vmem>>
      %dma_start3A_125 = arith.constant 0 : i32
      %dma_start3A_126 = tpu.memref_slice %arg4[%add3A_119, %dma_start3A_125] : memref<24576x1024xf32, #tpu.memory_space<hbm>> -> memref<48x1024xf32, #tpu.memory_space<hbm>>
      %dma_start3A_127 = arith.constant 0 : i32
      %dma_start3A_128 = tpu.memref_slice %arg4[%add3A_119, %dma_start3A_127] : memref<24576x1024xf32, #tpu.memory_space<hbm>> -> memref<48x1024xf32, #tpu.memory_space<hbm>>
      %dma_start3A_129 = arith.constant 0 : i32
      %dma_start3A_130 = arith.constant 0 : i32
      %dma_start3A_131 = tpu.memref_slice %arg6[%dma_start3A_120, %dma_start3A_129, %dma_start3A_130] : memref<2x48x1024xf32, #tpu.memory_space<vmem>> -> memref<1x48x1024xf32, #tpu.memory_space<vmem>>
      %dma_start3A_132 = tpu.memref_squeeze %dma_start3A_131 : memref<1x48x1024xf32, #tpu.memory_space<vmem>> -> memref<48x1024xf32, #tpu.memory_space<vmem>>
      tpu.enqueue_dma source(%dma_start3A_132 : memref<48x1024xf32, #tpu.memory_space<vmem>>) target(%dma_start3A_128 : memref<48x1024xf32, #tpu.memory_space<hbm>>) target_semaphore(%arg9 : memref<!tpu.dma_semaphore, #tpu.memory_space<semaphore_mem>>)
      %dma_wait3A_133 = arith.constant 1 : i32
      %dma_wait3A_134 = arith.constant 0 : i32
      %dma_wait3A_135 = arith.constant 0 : i32
      %dma_wait3A_136 = tpu.memref_slice %arg6[%dma_wait3A_133, %dma_wait3A_134, %dma_wait3A_135] : memref<2x48x1024xf32, #tpu.memory_space<vmem>> -> memref<1x48x1024xf32, #tpu.memory_space<vmem>>
      %dma_wait3A_137 = tpu.memref_squeeze %dma_wait3A_136 : memref<1x48x1024xf32, #tpu.memory_space<vmem>> -> memref<48x1024xf32, #tpu.memory_space<vmem>>
      %dma_wait3A_138 = arith.constant 0 : i32
      %dma_wait3A_139 = tpu.memref_slice %arg5[%dma_wait3A_138] : memref<768xi32, #tpu.memory_space<vmem>> -> memref<48xi32, #tpu.memory_space<vmem>>
      %dma_wait3A_140 = arith.constant 0 : i32
      %dma_wait3A_141 = arith.constant 0 : i32
      %dma_wait3A_142 = tpu.memref_slice %arg3[%dma_wait3A_140, %dma_wait3A_141] : memref<1000x1024xf32, #tpu.memory_space<hbm>> -> memref<1000x1024xf32, #tpu.memory_space<hbm>>
      tpu.wait_indirect_dma semaphore(%arg8 : memref<!tpu.dma_semaphore, #tpu.memory_space<semaphore_mem>>) src(%dma_wait3A_142 : memref<1000x1024xf32, #tpu.memory_space<hbm>>) dst(%dma_wait3A_137 : memref<48x1024xf32, #tpu.memory_space<vmem>>)
      %add3A_143 = arith.constant 1 : i32
      %add3A_144 = arith.addi %mul3A_104, %add3A_143 : i32
      %mul3A_145 = arith.constant 48 : i32
      %mul3A_146 = arith.muli %add3A_144, %mul3A_145 : i32
      %add3A_147 = arith.addi %mul3A_2, %mul3A_146 : i32
      %dma_start3A_148 = arith.constant 1 : i32
      %dma_start3A_149 = arith.constant 0 : i32
      %dma_start3A_150 = arith.constant 0 : i32
      %dma_start3A_151 = tpu.memref_slice %arg6[%dma_start3A_148, %dma_start3A_149, %dma_start3A_150] : memref<2x48x1024xf32, #tpu.memory_space<vmem>> -> memref<1x48x1024xf32, #tpu.memory_space<vmem>>
      %dma_start3A_152 = tpu.memref_squeeze %dma_start3A_151 : memref<1x48x1024xf32, #tpu.memory_space<vmem>> -> memref<48x1024xf32, #tpu.memory_space<vmem>>
      %dma_start3A_153 = arith.constant 0 : i32
      %dma_start3A_154 = tpu.memref_slice %arg4[%add3A_147, %dma_start3A_153] : memref<24576x1024xf32, #tpu.memory_space<hbm>> -> memref<48x1024xf32, #tpu.memory_space<hbm>>
      %dma_start3A_155 = arith.constant 0 : i32
      %dma_start3A_156 = tpu.memref_slice %arg4[%add3A_147, %dma_start3A_155] : memref<24576x1024xf32, #tpu.memory_space<hbm>> -> memref<48x1024xf32, #tpu.memory_space<hbm>>
      %dma_start3A_157 = arith.constant 0 : i32
      %dma_start3A_158 = arith.constant 0 : i32
      %dma_start3A_159 = tpu.memref_slice %arg6[%dma_start3A_148, %dma_start3A_157, %dma_start3A_158] : memref<2x48x1024xf32, #tpu.memory_space<vmem>> -> memref<1x48x1024xf32, #tpu.memory_space<vmem>>
      %dma_start3A_160 = tpu.memref_squeeze %dma_start3A_159 : memref<1x48x1024xf32, #tpu.memory_space<vmem>> -> memref<48x1024xf32, #tpu.memory_space<vmem>>
      tpu.enqueue_dma source(%dma_start3A_160 : memref<48x1024xf32, #tpu.memory_space<vmem>>) target(%dma_start3A_156 : memref<48x1024xf32, #tpu.memory_space<hbm>>) target_semaphore(%arg10 : memref<!tpu.dma_semaphore, #tpu.memory_space<semaphore_mem>>)
      %dma_wait3A_161 = arith.constant 0 : i32
      %dma_wait3A_162 = arith.constant 0 : i32
      %dma_wait3A_163 = arith.constant 0 : i32
      %dma_wait3A_164 = tpu.memref_slice %arg6[%dma_wait3A_161, %dma_wait3A_162, %dma_wait3A_163] : memref<2x48x1024xf32, #tpu.memory_space<vmem>> -> memref<1x48x1024xf32, #tpu.memory_space<vmem>>
      %dma_wait3A_165 = tpu.memref_squeeze %dma_wait3A_164 : memref<1x48x1024xf32, #tpu.memory_space<vmem>> -> memref<48x1024xf32, #tpu.memory_space<vmem>>
      %dma_wait3A_166 = arith.constant 0 : i32
      %dma_wait3A_167 = tpu.memref_slice %arg4[%mul3A_2, %dma_wait3A_166] : memref<24576x1024xf32, #tpu.memory_space<hbm>> -> memref<48x1024xf32, #tpu.memory_space<hbm>>
      %dma_wait3A_168 = arith.constant 0 : i32
      %dma_wait3A_169 = tpu.memref_slice %arg4[%mul3A_2, %dma_wait3A_168] : memref<24576x1024xf32, #tpu.memory_space<hbm>> -> memref<48x1024xf32, #tpu.memory_space<hbm>>
      %dma_wait3A_170 = arith.constant 0 : i32
      %dma_wait3A_171 = arith.constant 0 : i32
      %dma_wait3A_172 = tpu.memref_slice %arg6[%dma_wait3A_161, %dma_wait3A_170, %dma_wait3A_171] : memref<2x48x1024xf32, #tpu.memory_space<vmem>> -> memref<1x48x1024xf32, #tpu.memory_space<vmem>>
      %dma_wait3A_173 = tpu.memref_squeeze %dma_wait3A_172 : memref<1x48x1024xf32, #tpu.memory_space<vmem>> -> memref<48x1024xf32, #tpu.memory_space<vmem>>
      tpu.wait_dma2 semaphore(%arg9 : memref<!tpu.dma_semaphore, #tpu.memory_space<semaphore_mem>>) src(%dma_wait3A_173 : memref<48x1024xf32, #tpu.memory_space<vmem>>) dst(%dma_wait3A_169 : memref<48x1024xf32, #tpu.memory_space<hbm>>)
      %add3A_174 = arith.constant 2 : i32
      %add3A_175 = arith.addi %mul3A_104, %add3A_174 : i32
      %add3A_176 = arith.constant 0 : i32
      %add3A_177 = arith.addi %add3A_175, %add3A_176 : i32
      %mul3A_178 = arith.constant 48 : i32
      %mul3A_179 = arith.muli %add3A_177, %mul3A_178 : i32
      %dma_start3A_180 = arith.constant 0 : i32
      %dma_start3A_181 = arith.constant 0 : i32
      %dma_start3A_182 = arith.constant 0 : i32
      %dma_start3A_183 = tpu.memref_slice %arg6[%dma_start3A_180, %dma_start3A_181, %dma_start3A_182] : memref<2x48x1024xf32, #tpu.memory_space<vmem>> -> memref<1x48x1024xf32, #tpu.memory_space<vmem>>
      %dma_start3A_184 = tpu.memref_squeeze %dma_start3A_183 : memref<1x48x1024xf32, #tpu.memory_space<vmem>> -> memref<48x1024xf32, #tpu.memory_space<vmem>>
      %dma_start3A_185 = tpu.memref_slice %arg5[%mul3A_179] : memref<768xi32, #tpu.memory_space<vmem>> -> memref<48xi32, #tpu.memory_space<vmem>>
      %dma_start3A_186 = arith.constant 0 : i32
      %dma_start3A_187 = arith.constant 0 : i32
      %dma_start3A_188 = tpu.memref_slice %arg3[%dma_start3A_186, %dma_start3A_187] : memref<1000x1024xf32, #tpu.memory_space<hbm>> -> memref<1000x1024xf32, #tpu.memory_space<hbm>>
      tpu.enqueue_indirect_dma source(%dma_start3A_188 : memref<1000x1024xf32, #tpu.memory_space<hbm>>) target(%dma_start3A_184 : memref<48x1024xf32, #tpu.memory_space<vmem>>) offsets(%dma_start3A_185 : memref<48xi32, #tpu.memory_space<vmem>>) semaphore(%arg7 : memref<!tpu.dma_semaphore, #tpu.memory_space<semaphore_mem>>)
      %dma_wait3A_189 = arith.constant 1 : i32
      %dma_wait3A_190 = arith.constant 0 : i32
      %dma_wait3A_191 = arith.constant 0 : i32
      %dma_wait3A_192 = tpu.memref_slice %arg6[%dma_wait3A_189, %dma_wait3A_190, %dma_wait3A_191] : memref<2x48x1024xf32, #tpu.memory_space<vmem>> -> memref<1x48x1024xf32, #tpu.memory_space<vmem>>
      %dma_wait3A_193 = tpu.memref_squeeze %dma_wait3A_192 : memref<1x48x1024xf32, #tpu.memory_space<vmem>> -> memref<48x1024xf32, #tpu.memory_space<vmem>>
      %dma_wait3A_194 = arith.constant 0 : i32
      %dma_wait3A_195 = tpu.memref_slice %arg4[%mul3A_2, %dma_wait3A_194] : memref<24576x1024xf32, #tpu.memory_space<hbm>> -> memref<48x1024xf32, #tpu.memory_space<hbm>>
      %dma_wait3A_196 = arith.constant 0 : i32
      %dma_wait3A_197 = tpu.memref_slice %arg4[%mul3A_2, %dma_wait3A_196] : memref<24576x1024xf32, #tpu.memory_space<hbm>> -> memref<48x1024xf32, #tpu.memory_space<hbm>>
      %dma_wait3A_198 = arith.constant 0 : i32
      %dma_wait3A_199 = arith.constant 0 : i32
      %dma_wait3A_200 = tpu.memref_slice %arg6[%dma_wait3A_189, %dma_wait3A_198, %dma_wait3A_199] : memref<2x48x1024xf32, #tpu.memory_space<vmem>> -> memref<1x48x1024xf32, #tpu.memory_space<vmem>>
      %dma_wait3A_201 = tpu.memref_squeeze %dma_wait3A_200 : memref<1x48x1024xf32, #tpu.memory_space<vmem>> -> memref<48x1024xf32, #tpu.memory_space<vmem>>
      tpu.wait_dma2 semaphore(%arg10 : memref<!tpu.dma_semaphore, #tpu.memory_space<semaphore_mem>>) src(%dma_wait3A_201 : memref<48x1024xf32, #tpu.memory_space<vmem>>) dst(%dma_wait3A_197 : memref<48x1024xf32, #tpu.memory_space<hbm>>)
      %add3A_202 = arith.constant 2 : i32
      %add3A_203 = arith.addi %mul3A_104, %add3A_202 : i32
      %add3A_204 = arith.constant 1 : i32
      %add3A_205 = arith.addi %add3A_203, %add3A_204 : i32
      %mul3A_206 = arith.constant 48 : i32
      %mul3A_207 = arith.muli %add3A_205, %mul3A_206 : i32
      %dma_start3A_208 = arith.constant 1 : i32
      %dma_start3A_209 = arith.constant 0 : i32
      %dma_start3A_210 = arith.constant 0 : i32
      %dma_start3A_211 = tpu.memref_slice %arg6[%dma_start3A_208, %dma_start3A_209, %dma_start3A_210] : memref<2x48x1024xf32, #tpu.memory_space<vmem>> -> memref<1x48x1024xf32, #tpu.memory_space<vmem>>
      %dma_start3A_212 = tpu.memref_squeeze %dma_start3A_211 : memref<1x48x1024xf32, #tpu.memory_space<vmem>> -> memref<48x1024xf32, #tpu.memory_space<vmem>>
      %dma_start3A_213 = tpu.memref_slice %arg5[%mul3A_207] : memref<768xi32, #tpu.memory_space<vmem>> -> memref<48xi32, #tpu.memory_space<vmem>>
      %dma_start3A_214 = arith.constant 0 : i32
      %dma_start3A_215 = arith.constant 0 : i32
      %dma_start3A_216 = tpu.memref_slice %arg3[%dma_start3A_214, %dma_start3A_215] : memref<1000x1024xf32, #tpu.memory_space<hbm>> -> memref<1000x1024xf32, #tpu.memory_space<hbm>>
      tpu.enqueue_indirect_dma source(%dma_start3A_216 : memref<1000x1024xf32, #tpu.memory_space<hbm>>) target(%dma_start3A_212 : memref<48x1024xf32, #tpu.memory_space<vmem>>) offsets(%dma_start3A_213 : memref<48xi32, #tpu.memory_space<vmem>>) semaphore(%arg8 : memref<!tpu.dma_semaphore, #tpu.memory_space<semaphore_mem>>)
    }
    %scan3A_26 = arith.constant 7 : i32
    %dma_wait3A = arith.constant 0 : i32
    %dma_wait3A_27 = arith.constant 0 : i32
    %dma_wait3A_28 = arith.constant 0 : i32
    %dma_wait3A_29 = tpu.memref_slice %arg6[%dma_wait3A, %dma_wait3A_27, %dma_wait3A_28] : memref<2x48x1024xf32, #tpu.memory_space<vmem>> -> memref<1x48x1024xf32, #tpu.memory_space<vmem>>
    %dma_wait3A_30 = tpu.memref_squeeze %dma_wait3A_29 : memref<1x48x1024xf32, #tpu.memory_space<vmem>> -> memref<48x1024xf32, #tpu.memory_space<vmem>>
    %dma_wait3A_31 = arith.constant 0 : i32
    %dma_wait3A_32 = tpu.memref_slice %arg5[%dma_wait3A_31] : memref<768xi32, #tpu.memory_space<vmem>> -> memref<48xi32, #tpu.memory_space<vmem>>
    %dma_wait3A_33 = arith.constant 0 : i32
    %dma_wait3A_34 = arith.constant 0 : i32
    %dma_wait3A_35 = tpu.memref_slice %arg3[%dma_wait3A_33, %dma_wait3A_34] : memref<1000x1024xf32, #tpu.memory_space<hbm>> -> memref<1000x1024xf32, #tpu.memory_space<hbm>>
    tpu.wait_indirect_dma semaphore(%arg7 : memref<!tpu.dma_semaphore, #tpu.memory_space<semaphore_mem>>) src(%dma_wait3A_35 : memref<1000x1024xf32, #tpu.memory_space<hbm>>) dst(%dma_wait3A_30 : memref<48x1024xf32, #tpu.memory_space<vmem>>)
    %add3A_36 = arith.constant 672 : i32
    %add3A_37 = arith.addi %mul3A_2, %add3A_36 : i32
    %dma_start3A_38 = arith.constant 0 : i32
    %dma_start3A_39 = arith.constant 0 : i32
    %dma_start3A_40 = arith.constant 0 : i32
    %dma_start3A_41 = tpu.memref_slice %arg6[%dma_start3A_38, %dma_start3A_39, %dma_start3A_40] : memref<2x48x1024xf32, #tpu.memory_space<vmem>> -> memref<1x48x1024xf32, #tpu.memory_space<vmem>>
    %dma_start3A_42 = tpu.memref_squeeze %dma_start3A_41 : memref<1x48x1024xf32, #tpu.memory_space<vmem>> -> memref<48x1024xf32, #tpu.memory_space<vmem>>
    %dma_start3A_43 = arith.constant 0 : i32
    %dma_start3A_44 = tpu.memref_slice %arg4[%add3A_37, %dma_start3A_43] : memref<24576x1024xf32, #tpu.memory_space<hbm>> -> memref<48x1024xf32, #tpu.memory_space<hbm>>
    %dma_start3A_45 = arith.constant 0 : i32
    %dma_start3A_46 = tpu.memref_slice %arg4[%add3A_37, %dma_start3A_45] : memref<24576x1024xf32, #tpu.memory_space<hbm>> -> memref<48x1024xf32, #tpu.memory_space<hbm>>
    %dma_start3A_47 = arith.constant 0 : i32
    %dma_start3A_48 = arith.constant 0 : i32
    %dma_start3A_49 = tpu.memref_slice %arg6[%dma_start3A_38, %dma_start3A_47, %dma_start3A_48] : memref<2x48x1024xf32, #tpu.memory_space<vmem>> -> memref<1x48x1024xf32, #tpu.memory_space<vmem>>
    %dma_start3A_50 = tpu.memref_squeeze %dma_start3A_49 : memref<1x48x1024xf32, #tpu.memory_space<vmem>> -> memref<48x1024xf32, #tpu.memory_space<vmem>>
    tpu.enqueue_dma source(%dma_start3A_50 : memref<48x1024xf32, #tpu.memory_space<vmem>>) target(%dma_start3A_46 : memref<48x1024xf32, #tpu.memory_space<hbm>>) target_semaphore(%arg9 : memref<!tpu.dma_semaphore, #tpu.memory_space<semaphore_mem>>)
    %dma_wait3A_51 = arith.constant 1 : i32
    %dma_wait3A_52 = arith.constant 0 : i32
    %dma_wait3A_53 = arith.constant 0 : i32
    %dma_wait3A_54 = tpu.memref_slice %arg6[%dma_wait3A_51, %dma_wait3A_52, %dma_wait3A_53] : memref<2x48x1024xf32, #tpu.memory_space<vmem>> -> memref<1x48x1024xf32, #tpu.memory_space<vmem>>
    %dma_wait3A_55 = tpu.memref_squeeze %dma_wait3A_54 : memref<1x48x1024xf32, #tpu.memory_space<vmem>> -> memref<48x1024xf32, #tpu.memory_space<vmem>>
    %dma_wait3A_56 = arith.constant 0 : i32
    %dma_wait3A_57 = tpu.memref_slice %arg5[%dma_wait3A_56] : memref<768xi32, #tpu.memory_space<vmem>> -> memref<48xi32, #tpu.memory_space<vmem>>
    %dma_wait3A_58 = arith.constant 0 : i32
    %dma_wait3A_59 = arith.constant 0 : i32
    %dma_wait3A_60 = tpu.memref_slice %arg3[%dma_wait3A_58, %dma_wait3A_59] : memref<1000x1024xf32, #tpu.memory_space<hbm>> -> memref<1000x1024xf32, #tpu.memory_space<hbm>>
    tpu.wait_indirect_dma semaphore(%arg8 : memref<!tpu.dma_semaphore, #tpu.memory_space<semaphore_mem>>) src(%dma_wait3A_60 : memref<1000x1024xf32, #tpu.memory_space<hbm>>) dst(%dma_wait3A_55 : memref<48x1024xf32, #tpu.memory_space<vmem>>)
    %add3A_61 = arith.constant 720 : i32
    %add3A_62 = arith.addi %mul3A_2, %add3A_61 : i32
    %dma_start3A_63 = arith.constant 1 : i32
    %dma_start3A_64 = arith.constant 0 : i32
    %dma_start3A_65 = arith.constant 0 : i32
    %dma_start3A_66 = tpu.memref_slice %arg6[%dma_start3A_63, %dma_start3A_64, %dma_start3A_65] : memref<2x48x1024xf32, #tpu.memory_space<vmem>> -> memref<1x48x1024xf32, #tpu.memory_space<vmem>>
    %dma_start3A_67 = tpu.memref_squeeze %dma_start3A_66 : memref<1x48x1024xf32, #tpu.memory_space<vmem>> -> memref<48x1024xf32, #tpu.memory_space<vmem>>
    %dma_start3A_68 = arith.constant 0 : i32
    %dma_start3A_69 = tpu.memref_slice %arg4[%add3A_62, %dma_start3A_68] : memref<24576x1024xf32, #tpu.memory_space<hbm>> -> memref<48x1024xf32, #tpu.memory_space<hbm>>
    %dma_start3A_70 = arith.constant 0 : i32
    %dma_start3A_71 = tpu.memref_slice %arg4[%add3A_62, %dma_start3A_70] : memref<24576x1024xf32, #tpu.memory_space<hbm>> -> memref<48x1024xf32, #tpu.memory_space<hbm>>
    %dma_start3A_72 = arith.constant 0 : i32
    %dma_start3A_73 = arith.constant 0 : i32
    %dma_start3A_74 = tpu.memref_slice %arg6[%dma_start3A_63, %dma_start3A_72, %dma_start3A_73] : memref<2x48x1024xf32, #tpu.memory_space<vmem>> -> memref<1x48x1024xf32, #tpu.memory_space<vmem>>
    %dma_start3A_75 = tpu.memref_squeeze %dma_start3A_74 : memref<1x48x1024xf32, #tpu.memory_space<vmem>> -> memref<48x1024xf32, #tpu.memory_space<vmem>>
    tpu.enqueue_dma source(%dma_start3A_75 : memref<48x1024xf32, #tpu.memory_space<vmem>>) target(%dma_start3A_71 : memref<48x1024xf32, #tpu.memory_space<hbm>>) target_semaphore(%arg10 : memref<!tpu.dma_semaphore, #tpu.memory_space<semaphore_mem>>)
    %dma_wait3A_76 = arith.constant 0 : i32
    %dma_wait3A_77 = arith.constant 0 : i32
    %dma_wait3A_78 = arith.constant 0 : i32
    %dma_wait3A_79 = tpu.memref_slice %arg6[%dma_wait3A_76, %dma_wait3A_77, %dma_wait3A_78] : memref<2x48x1024xf32, #tpu.memory_space<vmem>> -> memref<1x48x1024xf32, #tpu.memory_space<vmem>>
    %dma_wait3A_80 = tpu.memref_squeeze %dma_wait3A_79 : memref<1x48x1024xf32, #tpu.memory_space<vmem>> -> memref<48x1024xf32, #tpu.memory_space<vmem>>
    %dma_wait3A_81 = arith.constant 0 : i32
    %dma_wait3A_82 = tpu.memref_slice %arg4[%mul3A_2, %dma_wait3A_81] : memref<24576x1024xf32, #tpu.memory_space<hbm>> -> memref<48x1024xf32, #tpu.memory_space<hbm>>
    %dma_wait3A_83 = arith.constant 0 : i32
    %dma_wait3A_84 = tpu.memref_slice %arg4[%mul3A_2, %dma_wait3A_83] : memref<24576x1024xf32, #tpu.memory_space<hbm>> -> memref<48x1024xf32, #tpu.memory_space<hbm>>
    %dma_wait3A_85 = arith.constant 0 : i32
    %dma_wait3A_86 = arith.constant 0 : i32
    %dma_wait3A_87 = tpu.memref_slice %arg6[%dma_wait3A_76, %dma_wait3A_85, %dma_wait3A_86] : memref<2x48x1024xf32, #tpu.memory_space<vmem>> -> memref<1x48x1024xf32, #tpu.memory_space<vmem>>
    %dma_wait3A_88 = tpu.memref_squeeze %dma_wait3A_87 : memref<1x48x1024xf32, #tpu.memory_space<vmem>> -> memref<48x1024xf32, #tpu.memory_space<vmem>>
    tpu.wait_dma2 semaphore(%arg9 : memref<!tpu.dma_semaphore, #tpu.memory_space<semaphore_mem>>) src(%dma_wait3A_88 : memref<48x1024xf32, #tpu.memory_space<vmem>>) dst(%dma_wait3A_84 : memref<48x1024xf32, #tpu.memory_space<hbm>>)
    %dma_wait3A_89 = arith.constant 1 : i32
    %dma_wait3A_90 = arith.constant 0 : i32
    %dma_wait3A_91 = arith.constant 0 : i32
    %dma_wait3A_92 = tpu.memref_slice %arg6[%dma_wait3A_89, %dma_wait3A_90, %dma_wait3A_91] : memref<2x48x1024xf32, #tpu.memory_space<vmem>> -> memref<1x48x1024xf32, #tpu.memory_space<vmem>>
    %dma_wait3A_93 = tpu.memref_squeeze %dma_wait3A_92 : memref<1x48x1024xf32, #tpu.memory_space<vmem>> -> memref<48x1024xf32, #tpu.memory_space<vmem>>
    %dma_wait3A_94 = arith.constant 0 : i32
    %dma_wait3A_95 = tpu.memref_slice %arg4[%mul3A_2, %dma_wait3A_94] : memref<24576x1024xf32, #tpu.memory_space<hbm>> -> memref<48x1024xf32, #tpu.memory_space<hbm>>
    %dma_wait3A_96 = arith.constant 0 : i32
    %dma_wait3A_97 = tpu.memref_slice %arg4[%mul3A_2, %dma_wait3A_96] : memref<24576x1024xf32, #tpu.memory_space<hbm>> -> memref<48x1024xf32, #tpu.memory_space<hbm>>
    %dma_wait3A_98 = arith.constant 0 : i32
    %dma_wait3A_99 = arith.constant 0 : i32
    %dma_wait3A_100 = tpu.memref_slice %arg6[%dma_wait3A_89, %dma_wait3A_98, %dma_wait3A_99] : memref<2x48x1024xf32, #tpu.memory_space<vmem>> -> memref<1x48x1024xf32, #tpu.memory_space<vmem>>
    %dma_wait3A_101 = tpu.memref_squeeze %dma_wait3A_100 : memref<1x48x1024xf32, #tpu.memory_space<vmem>> -> memref<48x1024xf32, #tpu.memory_space<vmem>>
    tpu.wait_dma2 semaphore(%arg10 : memref<!tpu.dma_semaphore, #tpu.memory_space<semaphore_mem>>) src(%dma_wait3A_101 : memref<48x1024xf32, #tpu.memory_space<vmem>>) dst(%dma_wait3A_97 : memref<48x1024xf32, #tpu.memory_space<hbm>>)
    return
  }
}

</mosaic_0001>

<sc_bundles>
// kernel: kernel.3.cloned.1.call-start
scs
__scs_entry_jumppad:
0x0: {  	(pc) =	sbr.rel $0x88, $3  }
0x1: {  	(tag) =	ssettag $0x0;
	lr =	simm.s32 $0x1  }
0x2: {  	[smem:$0x3F9F] =	sst lr;
	_ =	strace $0xD0000000  }
0x3: {  	_ = 	snop  }
0x4: {  	_ = 	snop  }
0x5: {  	_ = 	snop  }
0x6: {  	_ = 	snop  }
0x7: {  	_ = 	snop  }
__scs_overlays_trampoline_lowered:
0x8: {  	[smem:$0x3FAE] =	sst s0  }
0x9: {  	[smem:$0x3FAF] =	sst s1  }
0xa: {  	[smem:$0x3FB0] =	sst s2  }
0xb: {  	[smem:$0x3FB1] =	sst s3  }
0xc: {  	[smem:$0x3FB2] =	sst s4  }
0xd: {  	[smem:$0x3FB3] =	sst s5  }
0xe: {  	[smem:$0x3FB4] =	sst s6  }
0xf: {  	[smem:$0x3FB5] =	sst s7  }
0x10: {  	[smem:$0x3FB6] =	sst s8  }
0x11: {  	[smem:$0x3FB7] =	sst s9;
	s0 =	simm.s32 @!p0 $0x0  }
0x12: {  	s1 =	sld [smem:$0x3F9D];
	s0 =	simm.s32 @p0 $0x1  }
0x13: {  	[smem:$0x3FB8] =	sst s0;
	s0 =	simm.s32 @!p1 $0x0  }
0x14: {  	s2 =	sld [smem:$0x3F9C];
	s0 =	simm.s32 @p1 $0x1  }
0x15: {  	[smem:$0x3FB9] =	sst s0;
	s0 =	simm.s32 @!p2 $0x0  }
0x16: {  	s3 =	sld [smem:$0x3FDB];
	s0 =	simm.s32 @p2 $0x1  }
0x17: {  	s4 =	simm.s32 $0x1BF5;
	[smem:$0x3FBB] =	sst s0  }
0x18: {  	s0 =	sld [smem:$0x3F9E];
	_ =	swait.ge [sflag:s4], $0x0  }
0x19: {  	s7 =	sld [smem:$0x3F9F]  }
0x1a: {  	s8 =	sadd.s32 $0xFFFFE003, lr  }
0x1b: {  	s9 =	sadd.s32 $0xFFFFFEF7, lr;
	s5 =	simm.s32 $0xFFFFFFFF;
	p2 =	slt.u32 s8, $0xFFFFF086  }
0x1c: {  	p1 =	slt.u32 s9, $0xF7A;
	s5 =	simm.s32 @!p2 $0x0  }
0x1d: {  	s5 =	simm.s32 @p1 $0x1;
	p0 =	seq.s32 s7, s2  }
0x1e: {  	s7 =	smul.u32 @!p0 $0xF7A, s2;
	p2 =	seq.s32 @!p0 s5, $0x0  }
0x1f: {  	s9 =	smul.u32 $0xF7A, s1;
	s8 =	simm.s32 @!p0 $0x1BF5;
	p2 =	por !p2, p0  }
0x20: {  	[sflag:s8] =	ssyncset.s32 @!p0 $0xFFFFF086;
	s6 =	sadd.s32 @!p0 s3, s7;
	s7 =	simm.s32 @!p0 $0x108  }
0x21: {  	s3 =	sadd.s32 s3, s9;
	s6 =	sadd.s32 @!p0 $0x88, s6;
	s7 =	simm.s32 @p2 $0x1082  }
0x22: {  	[simem:s7], [sflag:s8] =	dma.local @!p0 [hbm:s6], $0xF7A  }
0x23: {  	s9 =	sor.u32 $0xD0000000, s2;
	s6 =	simm.s32 $0x108;
	_ =	swait.ge @!p0 [sflag:s8], $0x0  }
0x24: {  	s3 =	sadd.s32 $0x88, s3;
	s6 =	simm.s32 @!p1 $0x1082;
	[sflag:s4] =	ssyncset.s32 $0xFFFFF086  }
0x25: {  	[simem:s6], [sflag:s4] =	dma.local [hbm:s3], $0xF7A  }
0x26: {  	[smem:$0x3F9F] =	sst s1;
	(tag) =	ssettag s2;
	_ =	strace s9  }
0x27: {  	s1 =	sld [smem:$0x3FAF]  }
0x28: {  	s2 =	sld [smem:$0x3FB0]  }
0x29: {  	s4 =	sld [smem:$0x3FB2]  }
0x2a: {  	p0 =	seq.s32 s5, $0x0;
	s5 =	sld [smem:$0x3FB3]  }
0x2b: {  	s6 =	sld [smem:$0x3FB4]  }
0x2c: {  	s7 =	sld [smem:$0x3FB5]  }
0x2d: {  	s3 =	simm.s32 $0x108;
	s8 =	sld [smem:$0x3FB6]  }
0x2e: {  	s3 =	simm.s32 @!p0 $0x1082;
	s9 =	sld [smem:$0x3FB7]  }
0x2f: {  	lr =	sadd.s32 s0, s3;
	s0 =	sld [smem:$0x3FAE]  }
0x30: {  	s3 =	sld [smem:$0x3FB1]  }
0x31: {  	[smem:$0x3FBA] =	sst s10  }
0x32: {  	s10 =	sld [smem:$0x3FB8];
	_ =	sdelay $0x3  }
0x33: {  	p0 =	seq.s32 s10, $0x1;
	s10 =	sld [smem:$0x3FBA];
	_ =	sdelay $0x3  }
0x34: {  	[smem:$0x3FBA] =	sst s10  }
0x35: {  	s10 =	sld [smem:$0x3FB9];
	_ =	sdelay $0x3  }
0x36: {  	p1 =	seq.s32 s10, $0x1;
	s10 =	sld [smem:$0x3FBA];
	_ =	sdelay $0x3  }
0x37: {  	[smem:$0x3FBA] =	sst s10  }
0x38: {  	s10 =	sld [smem:$0x3FBB]  }
0x39: {  	_ = 	snop;
	(pc) =	sbr.ind lr, $3  }
0x3a: {  	_ = 	snop  }
0x3b: {  	_ = 	snop  }
0x3c: {  	p2 =	seq.s32 s10, $0x1;
	s10 =	sld [smem:$0x3FBA]  }
0x3d: {  	_ =	shalt  }
0x3e: {  	_ =	shalt  }
0x3f: {  	_ =	shalt  }
0x40: {  	_ =	shalt  }
0x41: {  	_ =	shalt  }
0x42: {  	_ =	shalt  }
0x43: {  	_ =	shalt  }
0x44: {  	_ =	shalt  }
0x45: {  	_ =	shalt  }
0x46: {  	_ =	shalt  }
0x47: {  	_ =	shalt  }
0x48: {  	_ =	shalt  }
0x49: {  	_ =	shalt  }
0x4a: {  	_ =	shalt  }
0x4b: {  	_ =	shalt  }
0x4c: {  	_ =	shalt  }
0x4d: {  	_ =	shalt  }
0x4e: {  	_ =	shalt  }
0x4f: {  	_ =	shalt  }
0x50: {  	_ =	shalt  }
0x51: {  	_ =	shalt  }
0x52: {  	_ =	shalt  }
0x53: {  	_ =	shalt  }
0x54: {  	_ =	shalt  }
0x55: {  	_ =	shalt  }
0x56: {  	_ =	shalt  }
0x57: {  	_ =	shalt  }
0x58: {  	_ =	shalt  }
0x59: {  	_ =	shalt  }
0x5a: {  	_ =	shalt  }
0x5b: {  	_ =	shalt  }
0x5c: {  	_ =	shalt  }
0x5d: {  	_ =	shalt  }
0x5e: {  	_ =	shalt  }
0x5f: {  	_ =	shalt  }
0x60: {  	_ =	shalt  }
0x61: {  	_ =	shalt  }
0x62: {  	_ =	shalt  }
0x63: {  	_ =	shalt  }
0x64: {  	_ =	shalt  }
0x65: {  	_ =	shalt  }
0x66: {  	_ =	shalt  }
0x67: {  	_ =	shalt  }
0x68: {  	_ =	shalt  }
0x69: {  	_ =	shalt  }
0x6a: {  	_ =	shalt  }
0x6b: {  	_ =	shalt  }
0x6c: {  	_ =	shalt  }
0x6d: {  	_ =	shalt  }
0x6e: {  	_ =	shalt  }
0x6f: {  	_ =	shalt  }
0x70: {  	_ =	shalt  }
0x71: {  	_ =	shalt  }
0x72: {  	_ =	shalt  }
0x73: {  	_ =	shalt  }
0x74: {  	_ =	shalt  }
0x75: {  	_ =	shalt  }
0x76: {  	_ =	shalt  }
0x77: {  	_ =	shalt  }
0x78: {  	_ =	shalt  }
0x79: {  	_ =	shalt  }
0x7a: {  	_ =	shalt  }
0x7b: {  	_ =	shalt  }
0x7c: {  	_ =	shalt  }
0x7d: {  	_ =	shalt  }
0x7e: {  	_ =	shalt  }
0x7f: {  	_ =	shalt  }
0x80: {  	_ =	shalt  }
0x81: {  	_ =	shalt  }
0x82: {  	_ =	shalt  }
0x83: {  	_ =	shalt  }
0x84: {  	_ =	shalt  }
0x85: {  	_ =	shalt  }
0x86: {  	_ =	shalt  }
0x87: {  	_ =	shalt  }
.Lfunc_end0:
.L_simem_size_0:
called_computation.1_lowered:
.L_overlay_start_0:
0x88: {  	s2 =	sld [smem:$0x3FD9]  }
0x89: {  	s3 =	sld [smem:$0x3FFE];
	_ =	sdelay $0x1  }
0x8a: {  	s1 =	srdreg.scid  }
0x8b: {  	s0 =	sand.u32 $0x1, s1  }
0x8c: {  	s17 =	sshll.u32 s0, $0xA;
	s2 =	sadd.s32 s3, s2  }
0x8d: {  	s2 =	sadd.s32 s2, s17  }
0x8e: {  	[smem:$0x3FC6] =	sst s2  }
0x8f: {  	_ = 	snop  }
0x90: {  	s2 =	sld [smem:$0x3FD0];
	(tm) =	ssettm $0x1  }
0x91: {  	s18 =	sld [smem:$0x3FFB];
	_ =	sdelay $0x3  }
0x92: {  	_ =	strace s18  }
0x93: {  	s3 =	sld [smem:$0x3FFC];
	_ =	sdelay $0x3  }
0x94: {  	_ =	strace s3  }
0x95: {  	s3 =	sld [smem:$0x3FFD];
	_ =	sdelay $0x3  }
0x96: {  	_ =	strace s3  }
0x97: {  	_ =	strace $0x8FFFFFFF  }
0x98: {  	s19 =	sld [smem:$0x3FDB];
	_ =	sdelay $0x1  }
0x99: {  	s4 =	simm.s32 $_scs_section_size  }
0x9a: {  	s5 =	simm.s32 $_size__tile_overlayer_lowered;
	s6 =	simm.s32 $_tile_overlayer_lowered  }
0x9b: {  	s22 =	simm.s32 $0x1BFF;
	s21 =	sshll.u32 s6, $0x1;
	s3 =	sadd.s32 s4, s19  }
0x9c: {  	s7 =	simm.s32 $0x0;
	s20 =	sshll.u32 s5, $0x1;
	s5 =	sadd.s32 s21, s3  }
0x9d: {  	[timem:s7], [sflag:s22] =	dma.local [hbm:s5], s20  }
0x9e: {  	_ =	swait.ge [sflag:s22], s20  }
0x9f: {  	s4 =	ssub.s32 $0x0, s20;
	[sflag:s22] =	ssyncset.done $0x0  }
0xa0: {  	[sflag:s22] =	ssyncadd.s32 s4;
	_ =	sdelay $0x1  }
0xa1: {  	s23 =	simm.s32 $0x1B8B  }
0xa2: {  	_ =	swait.ge [sflag:s23], $0x1  }
0xa3: {  	[sflag:s23] =	ssyncset.done $0x0  }
0xa4: {  	s25 =	simm.s32 $0x1B8E;
	s24 =	sld [smem:$0x3FFE];
	[sflag:s23] =	ssyncadd.s32 $0xFFFFFFFF  }
0xa5: {  	s26 =	simm.s32 $execute0_lowered;
	[smem:$0x3FD2] =	sst s25  }
0xa6: {  	s5 =	sshll.u32 s26, $0x1;
	_ =	strace $0x80000046;
	[dreg:$0x1] =	wrdreg $0xFFFFFFFF  }
0xa7: {  	s28 =	simm.s32 $_size_execute0_lowered;
	s3 =	sadd.s32 s3, s5;
	[dreg:$0x0] =	wrdreg $0x0  }
0xa8: {  	s5 =	sshll.u32 s28, $0x1;
	[dreg:$0x2] =	wrdreg s3  }
0xa9: {  	[dreg:$0x3] =	wrdreg s5  }
0xaa: {  	[dreg:$0x4] =	wrdreg $0xC0  }
0xab: {  	_ =	task [dreg:s7], $0x5FFFF  }
0xac: {  	[dreg:$0x1] =	wrdreg $0xFFFFFFFF  }
0xad: {  	[dreg:$0x0] =	wrdreg $0x60  }
0xae: {  	[dreg:$0x2] =	wrdreg s24  }
0xaf: {  	[dreg:$0x3] =	wrdreg s2  }
0xb0: {  	[dreg:$0x4] =	wrdreg $0x9  }
0xb1: {  	_ =	task.clear_ibuf [dreg:s7], $0x5FFFF;
	_ =	strace $0x90000046  }
0xb2: {  	s29 =	simm.s32 $0x9;
	_ =	strace $0x80000048  }
0xb3: {  	_ =	swait.ge [sflag:s29], $0x1  }
0xb4: {  	[sflag:s29] =	ssyncadd.s32 $0xFFFFFFFF  }
0xb5: {  	_ =	strace $0x90000048  }
0xb6: {  	_ =	sfence  }
0xb7: {  	s30 =	sld [smem:$0x0];
	_ =	sdelay $0x2  }
0xb8: {  	s31 =	sshll.u32 s1, $0xD;
	s1 =	sshrl.u32 s1, $0x2  }
0xb9: {  	s3 =	sand.u32 $0x4000, s31;
	s1 =	sadd.s32 s1, s30  }
0xba: {  	s0 =	sor.u32 s3, s0;
	s1 =	sshll.u32 s1, $0x11  }
0xbb: {  	s0 =	sor.u32 s1, s0  }
0xbc: {  	s0 =	sadd.s32 $0x8F2B, s0  }
0xbd: {  	[sflag:s0] =	ssyncadd.remote.s32 $0x1  }
0xbe: {  	_ =	sfence.sel $0xFFFF  }
0xbf: {  	[dreg:$0x0] =	wrdreg $0xFFFFFFFF;
	(pc) =	sbr.abs _section_cstart, $3  }
0xc0: {  	[dreg:$0x1] =	wrdreg $0xFFFFFFFF  }
0xc1: {  	_ =	task.clear_ibuf [dreg:s7], $0x2FFFF;
	_ =	strace $0x9FFFFFFF  }
0xc2: {  	(tm) =	ssettm $0x7FFFFFFF  }
0xc3: {  	_ =	shalt  }
tec
execute0_lowered:
.L_overlay_start_1:
0x0: {  	(tag) =	ssettag $0x1  }
0x1: {  	s0 =	srdreg.scid  }
0x2: {  	s9 =	stileid.u32;
	s4 =	rddreg [dreg:$0x0]  }
0x3: {  	s2 =	rddreg [dreg:$0x1];
	s3 =	simm.s32 $0x0;
	s10 =	simm.s32 $0x300  }
0x4: {  	s17 =	simm.s32 $0xB00;
	s16 =	simm.s32 $0x1300;
	s18 =	simm.s32 $0x1B00  }
0x5: {  	s19 =	simm.s32 $0x2300;
	s20 =	simm.s32 $0x2B00;
	s21 =	simm.s32 $0x3300  }
0x6: {  	s22 =	simm.s32 $0x3B00;
	s23 =	simm.s32 $0x4300;
	s28 =	simm.s32 $0x6300  }
0x7: {  	s29 =	simm.s32 $0x6B00;
	s30 =	simm.s32 $0x7300;
	s31 =	simm.s32 $0x7B00  }
0x8: {  	s12 =	simm.s32 $0x9B00;
	s11 =	simm.s32 $0x2;
	s13 =	simm.s32 $0x3  }
0x9: {  	s14 =	simm.s32 $0x4;
	s15 =	simm.s32 $0x0;
	s0 =	sand.u32 $0x1, s0  }
0xa: {  	s1 =	sshll.u32 s9, $0x1;
	[smem:$0x7FF] =	sst s3;
	s24 =	smul.u32 $0x30000, s9  }
0xb: {  	s1 =	sor.u32 s0, s1;
	s6 =	ssub.s32 $0x2, s0;
	s0 =	smul.u32 $0x18000, s0  }
0xc: {  	s9 =	simm.s32 $0x1;
	_ =	strace $0x80000047;
	s5 =	smul.u32 $0x300, s1  }
0xd: {  	[dreg:$0x8] =	wrdreg s15;
	s7 =	sshrl.u32 s6, $0x1;
	s1 =	smul.u32 $0xC0000, s1  }
0xe: {  	s8 =	ssub.s32 s6, s7;
	s6 =	sadd.s32 $0x200, s2;
	s7 =	sadd.s32 $0x300, s2  }
0xf: {  	s5 =	sshrl.u32 s5, $0x3;
	s1 =	sshrl.u32 s1, $0x3;
	s26 =	smax.u32 s8, $0x1  }
0x10: {  	s8 =	simm.s32 $0x9300;
	s5 =	sadd.s32 s5, s4;
	s4 =	sadd.s32 $0x1400, s4  }
0x11: {  	[dreg:$0x7] =	wrdreg s26;
	s5 =	sadd.s32 $0x800, s5;
	s1 =	sadd.s32 s4, s1  }
0x12: {  	s26 =	simm.s32 $0x5B00;
	[dreg:$0x4] =	wrdreg s5;
	s25 =	sadd.s32 $0x15000, s1  }
0x13: {  	s4 =	sadd.s32 s24, s4;
	s1 =	sadd.s32 $0x16800, s1;
	[dreg:$0x5] =	wrdreg s25  }
0x14: {  	v2 =	vlaneseq.u32;
	s24 =	simm.s32 $0x4B00;
	s0 =	sadd.s32 s0, s4;
	[dreg:$0x6] =	wrdreg s1  }
0x15: {  	vm0 =	vmmov $0xffff;
	v1 =	vshrl.u32 v2, $0x3;
	s5 =	sadd.s32 $0x100, s2;
	s4 =	simm.s32 $0x8B00;
	[dreg:$0x3] =	wrdreg s0  }
0x16: {  	v0 =	vand.u32 $0x7, v2;
	v2 =	vor.u32 $0x8, v2;
	v1 =	vmul.u32 $0x8, v1;
	s25 =	simm.s32 $0x5300;
	s0 =	simm.s32 $0x8300;
	s1 =	simm.s32 $0xC300  }
.LBB2_1:
0x17: {  	s15 =	rddreg [dreg:$0x4]  }
0x18: {  	[tilespmem:s3], [sflag:$0x5] =	stream.linear.gather [hbm4b:s15+s3], $0x300, $0x38;
	[tilespmem:$0x18300] =	vst v63  }
0x19: {  	s15 =	simm.s32 $0x5  }
0x1a: {  	_ =	swait.ge [sflag:s15], $0x300  }
0x1b: {  	[sflag:s15] =	ssyncset.done $0x0  }
0x1c: {  	[sflag:s15] =	ssyncadd.s32 $0xFFFFFD00  }
0x1d: {  	v3 =	vld [tilespmem:$0x0];
	_ =	sdelay $0x4  }
0x1e: {  	v4 =	vshll.u32 v3, $0x3  }
0x1f: {  	v3 =	vand.u32 $0x7, v3;
	v4 =	vand.u32 $0xFFFFFFC0, v4  }
0x20: {  	v3 =	vor.u32 v3, v4  }
0x21: {  	v4 =	vperm.xlane v3, v0;
	_ =	sdelay $0x1  }
0x22: {  	v4 =	vadd.s32 v1, v4;
	_ =	sdelay $0x4  }
0x23: {  	[tilespmem:s10], [sflag:$0x1] =	stream.indirect_vreg.gather [hbm4b:s2+s3], $0x80, v4, vm0, $0xb8;
	[tilespmem:$0x18300] =	vst v63  }
0x24: {  	v3 =	vperm.xlane v3, v2  }
0x25: {  	[tilespmem:s17], [sflag:$0x1] =	stream.indirect_vreg.gather [hbm4b:s5+s3], $0x80, v4, vm0, $0xb8;
	[tilespmem:$0x18300] =	vst v63  }
0x26: {  	v3 =	vadd.s32 v1, v3  }
0x27: {  	[tilespmem:s16], [sflag:$0x1] =	stream.indirect_vreg.gather [hbm4b:s6+s3], $0x80, v4, vm0, $0xb8;
	[tilespmem:$0x18300] =	vst v63  }
0x28: {  	_ = 	snop  }
0x29: {  	[tilespmem:s18], [sflag:$0x1] =	stream.indirect_vreg.gather [hbm4b:s7+s3], $0x80, v4, vm0, $0xb8;
	[tilespmem:$0x18300] =	vst v63  }
0x2a: {  	_ = 	snop  }
0x2b: {  	[tilespmem:s19], [sflag:$0x1] =	stream.indirect_vreg.gather [hbm4b:s2+s3], $0x80, v3, vm0, $0xb8;
	[tilespmem:$0x18300] =	vst v63  }
0x2c: {  	_ = 	snop  }
0x2d: {  	[tilespmem:s20], [sflag:$0x1] =	stream.indirect_vreg.gather [hbm4b:s5+s3], $0x80, v3, vm0, $0xb8;
	[tilespmem:$0x18300] =	vst v63  }
0x2e: {  	_ = 	snop  }
0x2f: {  	[tilespmem:s21], [sflag:$0x1] =	stream.indirect_vreg.gather [hbm4b:s6+s3], $0x80, v3, vm0, $0xb8;
	[tilespmem:$0x18300] =	vst v63  }
0x30: {  	_ = 	snop  }
0x31: {  	[tilespmem:s22], [sflag:$0x1] =	stream.indirect_vreg.gather [hbm4b:s7+s3], $0x80, v3, vm0, $0xb8;
	[tilespmem:$0x18300] =	vst v63  }
0x32: {  	v3 =	vld [tilespmem:$0x10];
	_ =	sdelay $0x4  }
0x33: {  	v59 =	vshll.u32 v3, $0x3  }
0x34: {  	v3 =	vand.u32 $0x7, v3;
	v4 =	vand.u32 $0xFFFFFFC0, v59  }
0x35: {  	v3 =	vor.u32 v3, v4  }
0x36: {  	v4 =	vperm.xlane v3, v0;
	_ =	sdelay $0x1  }
0x37: {  	v4 =	vadd.s32 v1, v4;
	_ =	sdelay $0x4  }
0x38: {  	[tilespmem:s23], [sflag:$0x1] =	stream.indirect_vreg.gather [hbm4b:s2+s3], $0x80, v4, vm0, $0xb8;
	[tilespmem:$0x18300] =	vst v63  }
0x39: {  	v3 =	vperm.xlane v3, v2  }
0x3a: {  	[tilespmem:s24], [sflag:$0x1] =	stream.indirect_vreg.gather [hbm4b:s5+s3], $0x80, v4, vm0, $0xb8;
	[tilespmem:$0x18300] =	vst v63  }
0x3b: {  	v3 =	vadd.s32 v1, v3  }
0x3c: {  	[tilespmem:s25], [sflag:$0x1] =	stream.indirect_vreg.gather [hbm4b:s6+s3], $0x80, v4, vm0, $0xb8;
	[tilespmem:$0x18300] =	vst v63  }
0x3d: {  	_ = 	snop  }
0x3e: {  	[tilespmem:s26], [sflag:$0x1] =	stream.indirect_vreg.gather [hbm4b:s7+s3], $0x80, v4, vm0, $0xb8;
	[tilespmem:$0x18300] =	vst v63  }
0x3f: {  	_ = 	snop  }
0x40: {  	[tilespmem:s28], [sflag:$0x1] =	stream.indirect_vreg.gather [hbm4b:s2+s3], $0x80, v3, vm0, $0xb8;
	[tilespmem:$0x18300] =	vst v63  }
0x41: {  	_ = 	snop  }
0x42: {  	[tilespmem:s29], [sflag:$0x1] =	stream.indirect_vreg.gather [hbm4b:s5+s3], $0x80, v3, vm0, $0xb8;
	[tilespmem:$0x18300] =	vst v63  }
0x43: {  	_ = 	snop  }
0x44: {  	[tilespmem:s30], [sflag:$0x1] =	stream.indirect_vreg.gather [hbm4b:s6+s3], $0x80, v3, vm0, $0xb8;
	[tilespmem:$0x18300] =	vst v63  }
0x45: {  	_ = 	snop  }
0x46: {  	[tilespmem:s31], [sflag:$0x1] =	stream.indirect_vreg.gather [hbm4b:s7+s3], $0x80, v3, vm0, $0xb8;
	[tilespmem:$0x18300] =	vst v63  }
0x47: {  	v3 =	vld [tilespmem:$0x20];
	_ =	sdelay $0x4  }
0x48: {  	v60 =	vshll.u32 v3, $0x3  }
0x49: {  	v3 =	vand.u32 $0x7, v3;
	v4 =	vand.u32 $0xFFFFFFC0, v60  }
0x4a: {  	v3 =	vor.u32 v3, v4  }
0x4b: {  	v4 =	vperm.xlane v3, v0;
	_ =	sdelay $0x1  }
0x4c: {  	v4 =	vadd.s32 v1, v4;
	_ =	sdelay $0x4  }
0x4d: {  	[tilespmem:s0], [sflag:$0x1] =	stream.indirect_vreg.gather [hbm4b:s2+s3], $0x80, v4, vm0, $0xb8;
	[tilespmem:$0x18300] =	vst v63  }
0x4e: {  	v3 =	vperm.xlane v3, v2  }
0x4f: {  	[tilespmem:s4], [sflag:$0x1] =	stream.indirect_vreg.gather [hbm4b:s5+s3], $0x80, v4, vm0, $0xb8;
	[tilespmem:$0x18300] =	vst v63  }
0x50: {  	v3 =	vadd.s32 v1, v3  }
0x51: {  	[tilespmem:s8], [sflag:$0x1] =	stream.indirect_vreg.gather [hbm4b:s6+s3], $0x80, v4, vm0, $0xb8;
	[tilespmem:$0x18300] =	vst v63  }
0x52: {  	_ = 	snop  }
0x53: {  	[tilespmem:s12], [sflag:$0x1] =	stream.indirect_vreg.gather [hbm4b:s7+s3], $0x80, v4, vm0, $0xb8;
	[tilespmem:$0x18300] =	vst v63  }
0x54: {  	s20 =	simm.s32 $0xA300  }
0x55: {  	[tilespmem:s20], [sflag:$0x1] =	stream.indirect_vreg.gather [hbm4b:s2+s3], $0x80, v3, vm0, $0xb8;
	[tilespmem:$0x18300] =	vst v63  }
0x56: {  	s21 =	simm.s32 $0xAB00  }
0x57: {  	[tilespmem:s21], [sflag:$0x1] =	stream.indirect_vreg.gather [hbm4b:s5+s3], $0x80, v3, vm0, $0xb8;
	[tilespmem:$0x18300] =	vst v63  }
0x58: {  	s22 =	simm.s32 $0xB300  }
0x59: {  	[tilespmem:s22], [sflag:$0x1] =	stream.indirect_vreg.gather [hbm4b:s6+s3], $0x80, v3, vm0, $0xb8;
	[tilespmem:$0x18300] =	vst v63  }
0x5a: {  	s23 =	simm.s32 $0xBB00  }
0x5b: {  	[tilespmem:s23], [sflag:$0x1] =	stream.indirect_vreg.gather [hbm4b:s7+s3], $0x80, v3, vm0, $0xb8;
	[tilespmem:$0x18300] =	vst v63  }
0x5c: {  	v3 =	vld [tilespmem:$0x30];
	_ =	sdelay $0x4  }
0x5d: {  	v61 =	vshll.u32 v3, $0x3  }
0x5e: {  	v3 =	vand.u32 $0x7, v3;
	v4 =	vand.u32 $0xFFFFFFC0, v61  }
0x5f: {  	v3 =	vor.u32 v3, v4  }
0x60: {  	v4 =	vperm.xlane v3, v0;
	_ =	sdelay $0x1  }
0x61: {  	v4 =	vadd.s32 v1, v4;
	_ =	sdelay $0x4  }
0x62: {  	[tilespmem:s1], [sflag:$0x2] =	stream.indirect_vreg.gather [hbm4b:s2+s3], $0x80, v4, vm0, $0xb8;
	[tilespmem:$0x18300] =	vst v63  }
0x63: {  	s24 =	simm.s32 $0xCB00;
	v3 =	vperm.xlane v3, v2  }
0x64: {  	[tilespmem:s24], [sflag:$0x2] =	stream.indirect_vreg.gather [hbm4b:s5+s3], $0x80, v4, vm0, $0xb8;
	[tilespmem:$0x18300] =	vst v63  }
0x65: {  	s25 =	simm.s32 $0xD300;
	v3 =	vadd.s32 v1, v3  }
0x66: {  	[tilespmem:s25], [sflag:$0x2] =	stream.indirect_vreg.gather [hbm4b:s6+s3], $0x80, v4, vm0, $0xb8;
	[tilespmem:$0x18300] =	vst v63  }
0x67: {  	s26 =	simm.s32 $0xDB00  }
0x68: {  	[tilespmem:s26], [sflag:$0x2] =	stream.indirect_vreg.gather [hbm4b:s7+s3], $0x80, v4, vm0, $0xb8;
	[tilespmem:$0x18300] =	vst v63  }
0x69: {  	s1 =	simm.s32 $0xE300  }
0x6a: {  	[tilespmem:s1], [sflag:$0x2] =	stream.indirect_vreg.gather [hbm4b:s2+s3], $0x80, v3, vm0, $0xb8;
	[tilespmem:$0x18300] =	vst v63  }
0x6b: {  	s4 =	simm.s32 $0xEB00  }
0x6c: {  	[tilespmem:s4], [sflag:$0x2] =	stream.indirect_vreg.gather [hbm4b:s5+s3], $0x80, v3, vm0, $0xb8;
	[tilespmem:$0x18300] =	vst v63  }
0x6d: {  	s8 =	simm.s32 $0xF300  }
0x6e: {  	[tilespmem:s8], [sflag:$0x2] =	stream.indirect_vreg.gather [hbm4b:s6+s3], $0x80, v3, vm0, $0xb8;
	[tilespmem:$0x18300] =	vst v63  }
0x6f: {  	s10 =	simm.s32 $0xFB00  }
0x70: {  	[tilespmem:s10], [sflag:$0x2] =	stream.indirect_vreg.gather [hbm4b:s7+s3], $0x80, v3, vm0, $0xb8;
	[tilespmem:$0x18300] =	vst v63  }
0x71: {  	v3 =	vld [tilespmem:$0x40];
	_ =	sdelay $0x4  }
0x72: {  	v62 =	vshll.u32 v3, $0x3  }
0x73: {  	v3 =	vand.u32 $0x7, v3;
	v4 =	vand.u32 $0xFFFFFFC0, v62  }
0x74: {  	v3 =	vor.u32 v3, v4  }
0x75: {  	v4 =	vperm.xlane v3, v0;
	_ =	sdelay $0x1  }
0x76: {  	v4 =	vadd.s32 v1, v4;
	_ =	sdelay $0x3  }
0x77: {  	s12 =	simm.s32 $0x10300  }
0x78: {  	[tilespmem:s12], [sflag:$0x2] =	stream.indirect_vreg.gather [hbm4b:s2+s3], $0x80, v4, vm0, $0xb8;
	[tilespmem:$0x18300] =	vst v63  }
0x79: {  	s15 =	simm.s32 $0x10B00;
	v3 =	vperm.xlane v3, v2  }
0x7a: {  	[tilespmem:s15], [sflag:$0x2] =	stream.indirect_vreg.gather [hbm4b:s5+s3], $0x80, v4, vm0, $0xb8;
	[tilespmem:$0x18300] =	vst v63  }
0x7b: {  	s16 =	simm.s32 $0x11300;
	v3 =	vadd.s32 v1, v3  }
0x7c: {  	[tilespmem:s16], [sflag:$0x2] =	stream.indirect_vreg.gather [hbm4b:s6+s3], $0x80, v4, vm0, $0xb8;
	[tilespmem:$0x18300] =	vst v63  }
0x7d: {  	s17 =	simm.s32 $0x11B00  }
0x7e: {  	[tilespmem:s17], [sflag:$0x2] =	stream.indirect_vreg.gather [hbm4b:s7+s3], $0x80, v4, vm0, $0xb8;
	[tilespmem:$0x18300] =	vst v63  }
0x7f: {  	s18 =	simm.s32 $0x12300  }
0x80: {  	[tilespmem:s18], [sflag:$0x2] =	stream.indirect_vreg.gather [hbm4b:s2+s3], $0x80, v3, vm0, $0xb8;
	[tilespmem:$0x18300] =	vst v63  }
0x81: {  	s19 =	simm.s32 $0x12B00  }
0x82: {  	[tilespmem:s19], [sflag:$0x2] =	stream.indirect_vreg.gather [hbm4b:s5+s3], $0x80, v3, vm0, $0xb8;
	[tilespmem:$0x18300] =	vst v63  }
0x83: {  	s20 =	simm.s32 $0x13300  }
0x84: {  	[tilespmem:s20], [sflag:$0x2] =	stream.indirect_vreg.gather [hbm4b:s6+s3], $0x80, v3, vm0, $0xb8;
	[tilespmem:$0x18300] =	vst v63  }
0x85: {  	s21 =	simm.s32 $0x13B00  }
0x86: {  	[tilespmem:s21], [sflag:$0x2] =	stream.indirect_vreg.gather [hbm4b:s7+s3], $0x80, v3, vm0, $0xb8;
	[tilespmem:$0x18300] =	vst v63  }
0x87: {  	v3 =	vld [tilespmem:$0x50];
	_ =	sdelay $0x4  }
0x88: {  	v63 =	vshll.u32 v3, $0x3  }
0x89: {  	v3 =	vand.u32 $0x7, v3;
	v4 =	vand.u32 $0xFFFFFFC0, v63  }
0x8a: {  	v3 =	vor.u32 v3, v4  }
0x8b: {  	v4 =	vperm.xlane v3, v0;
	_ =	sdelay $0x1  }
0x8c: {  	v4 =	vadd.s32 v1, v4;
	_ =	sdelay $0x3  }
0x8d: {  	s28 =	simm.s32 $0x5B00;
	s22 =	simm.s32 $0x14300  }
0x8e: {  	[tilespmem:s22], [sflag:$0x2] =	stream.indirect_vreg.gather [hbm4b:s2+s3], $0x80, v4, vm0, $0xb8;
	[tilespmem:$0x18300] =	vst v63  }
0x8f: {  	s29 =	simm.s32 $0x6300;
	s30 =	simm.s32 $0x6B00;
	s23 =	simm.s32 $0x14B00;
	v3 =	vperm.xlane v3, v2  }
0x90: {  	[tilespmem:s23], [sflag:$0x2] =	stream.indirect_vreg.gather [hbm4b:s5+s3], $0x80, v4, vm0, $0xb8;
	[tilespmem:$0x18300] =	vst v63  }
0x91: {  	s31 =	simm.s32 $0x7300;
	s0 =	simm.s32 $0x8300;
	s24 =	simm.s32 $0x15300;
	v3 =	vadd.s32 v1, v3  }
0x92: {  	[tilespmem:s24], [sflag:$0x2] =	stream.indirect_vreg.gather [hbm4b:s6+s3], $0x80, v4, vm0, $0xb8;
	[tilespmem:$0x18300] =	vst v63  }
0x93: {  	s25 =	simm.s32 $0x15B00;
	s26 =	simm.s32 $0x16300;
	s4 =	simm.s32 $0x8B00  }
0x94: {  	[tilespmem:s25], [sflag:$0x2] =	stream.indirect_vreg.gather [hbm4b:s7+s3], $0x80, v4, vm0, $0xb8;
	[tilespmem:$0x18300] =	vst v63  }
0x95: {  	s8 =	simm.s32 $0x9300;
	s12 =	simm.s32 $0x9B00;
	s15 =	simm.s32 $0xB0  }
0x96: {  	[tilespmem:s26], [sflag:$0x2] =	stream.indirect_vreg.gather [hbm4b:s2+s3], $0x80, v3, vm0, $0xb8;
	[tilespmem:$0x18300] =	vst v63  }
0x97: {  	s16 =	simm.s32 $0x0;
	s18 =	simm.s32 $0x1300;
	s21 =	simm.s32 $0x16B00  }
0x98: {  	[tilespmem:s21], [sflag:$0x2] =	stream.indirect_vreg.gather [hbm4b:s5+s3], $0x80, v3, vm0, $0xb8;
	[tilespmem:$0x18300] =	vst v63  }
0x99: {  	s20 =	simm.s32 $0x2300;
	s22 =	simm.s32 $0x3300;
	s23 =	simm.s32 $0x17300  }
0x9a: {  	[tilespmem:s23], [sflag:$0x2] =	stream.indirect_vreg.gather [hbm4b:s6+s3], $0x80, v3, vm0, $0xb8;
	[tilespmem:$0x18300] =	vst v63  }
0x9b: {  	s24 =	simm.s32 $0x4300;
	s25 =	simm.s32 $0x17B00;
	s26 =	simm.s32 $0x5300  }
0x9c: {  	[tilespmem:s25], [sflag:$0x2] =	stream.indirect_vreg.gather [hbm4b:s7+s3], $0x80, v3, vm0, $0xb8;
	[tilespmem:$0x18300] =	vst v63  }
.LBB2_2:
0x9d: {  	_ =	swait.ge [sflag:s9], $0xC000  }
0x9e: {  	s17 =	rddreg [dreg:$0x3];
	[sflag:s9] =	ssyncset.done $0x0  }
0x9f: {  	s1 =	simm.s32 $0x300;
	[sflag:s9] =	ssyncadd.s32 $0xFFFF4000;
	s17 =	sadd.s32 s16, s17  }
0xa0: {  	[hbm4b:s17+s3] =	stream.linear.scatter [tilespmem:s1], [sflag:$0x3], $0xC000, $0x38;
	[tilespmem:$0x18300] =	vst v63  }
0xa1: {  	_ =	swait.ge [sflag:s11], $0xC000  }
0xa2: {  	[sflag:s11] =	ssyncset.done $0x0  }
0xa3: {  	s19 =	simm.s32 $0xC300;
	s17 =	sadd.s32 $0x1800, s17;
	[sflag:s11] =	ssyncadd.s32 $0xFFFF4000  }
0xa4: {  	[hbm4b:s17+s3] =	stream.linear.scatter [tilespmem:s19], [sflag:$0x4], $0xC000, $0x38;
	[tilespmem:$0x18300] =	vst v63  }
0xa5: {  	_ =	swait.ge [sflag:s13], $0xC000  }
0xa6: {  	[sflag:s13] =	ssyncset.done $0x0  }
0xa7: {  	[sflag:s13] =	ssyncadd.s32 $0xFFFF4000  }
0xa8: {  	v3 =	vld [tilespmem:s15+$0xFFFFFFB0];
	_ =	sdelay $0x4  }
0xa9: {  	v4 =	vshll.u32 v3, $0x3  }
0xaa: {  	v3 =	vand.u32 $0x7, v3;
	v4 =	vand.u32 $0xFFFFFFC0, v4  }
0xab: {  	v3 =	vor.u32 v3, v4  }
0xac: {  	v4 =	vperm.xlane v3, v0;
	_ =	sdelay $0x1  }
0xad: {  	v4 =	vadd.s32 v1, v4;
	_ =	sdelay $0x4  }
0xae: {  	[tilespmem:s1], [sflag:$0x1] =	stream.indirect_vreg.gather [hbm4b:s2+s3], $0x80, v4, vm0, $0xb8;
	[tilespmem:$0x18300] =	vst v63  }
0xaf: {  	s17 =	simm.s32 $0xB00;
	v3 =	vperm.xlane v3, v2  }
0xb0: {  	[tilespmem:s17], [sflag:$0x1] =	stream.indirect_vreg.gather [hbm4b:s5+s3], $0x80, v4, vm0, $0xb8;
	[tilespmem:$0x18300] =	vst v63  }
0xb1: {  	v3 =	vadd.s32 v1, v3  }
0xb2: {  	[tilespmem:s18], [sflag:$0x1] =	stream.indirect_vreg.gather [hbm4b:s6+s3], $0x80, v4, vm0, $0xb8;
	[tilespmem:$0x18300] =	vst v63  }
0xb3: {  	s1 =	simm.s32 $0x1B00  }
0xb4: {  	[tilespmem:s1], [sflag:$0x1] =	stream.indirect_vreg.gather [hbm4b:s7+s3], $0x80, v4, vm0, $0xb8;
	[tilespmem:$0x18300] =	vst v63  }
0xb5: {  	_ = 	snop  }
0xb6: {  	[tilespmem:s20], [sflag:$0x1] =	stream.indirect_vreg.gather [hbm4b:s2+s3], $0x80, v3, vm0, $0xb8;
	[tilespmem:$0x18300] =	vst v63  }
0xb7: {  	s1 =	simm.s32 $0x2B00  }
0xb8: {  	[tilespmem:s1], [sflag:$0x1] =	stream.indirect_vreg.gather [hbm4b:s5+s3], $0x80, v3, vm0, $0xb8;
	[tilespmem:$0x18300] =	vst v63  }
0xb9: {  	_ = 	snop  }
0xba: {  	[tilespmem:s22], [sflag:$0x1] =	stream.indirect_vreg.gather [hbm4b:s6+s3], $0x80, v3, vm0, $0xb8;
	[tilespmem:$0x18300] =	vst v63  }
0xbb: {  	s1 =	simm.s32 $0x3B00  }
0xbc: {  	[tilespmem:s1], [sflag:$0x1] =	stream.indirect_vreg.gather [hbm4b:s7+s3], $0x80, v3, vm0, $0xb8;
	[tilespmem:$0x18300] =	vst v63  }
0xbd: {  	v3 =	vld [tilespmem:s15+$0xFFFFFFC0];
	_ =	sdelay $0x4  }
0xbe: {  	v59 =	vshll.u32 v3, $0x3  }
0xbf: {  	v3 =	vand.u32 $0x7, v3;
	v4 =	vand.u32 $0xFFFFFFC0, v59  }
0xc0: {  	v3 =	vor.u32 v3, v4  }
0xc1: {  	v4 =	vperm.xlane v3, v0;
	_ =	sdelay $0x1  }
0xc2: {  	v4 =	vadd.s32 v1, v4;
	_ =	sdelay $0x4  }
0xc3: {  	[tilespmem:s24], [sflag:$0x1] =	stream.indirect_vreg.gather [hbm4b:s2+s3], $0x80, v4, vm0, $0xb8;
	[tilespmem:$0x18300] =	vst v63  }
0xc4: {  	s1 =	simm.s32 $0x4B00;
	v3 =	vperm.xlane v3, v2  }
0xc5: {  	[tilespmem:s1], [sflag:$0x1] =	stream.indirect_vreg.gather [hbm4b:s5+s3], $0x80, v4, vm0, $0xb8;
	[tilespmem:$0x18300] =	vst v63  }
0xc6: {  	v3 =	vadd.s32 v1, v3  }
0xc7: {  	[tilespmem:s26], [sflag:$0x1] =	stream.indirect_vreg.gather [hbm4b:s6+s3], $0x80, v4, vm0, $0xb8;
	[tilespmem:$0x18300] =	vst v63  }
0xc8: {  	_ = 	snop  }
0xc9: {  	[tilespmem:s28], [sflag:$0x1] =	stream.indirect_vreg.gather [hbm4b:s7+s3], $0x80, v4, vm0, $0xb8;
	[tilespmem:$0x18300] =	vst v63  }
0xca: {  	_ = 	snop  }
0xcb: {  	[tilespmem:s29], [sflag:$0x1] =	stream.indirect_vreg.gather [hbm4b:s2+s3], $0x80, v3, vm0, $0xb8;
	[tilespmem:$0x18300] =	vst v63  }
0xcc: {  	_ = 	snop  }
0xcd: {  	[tilespmem:s30], [sflag:$0x1] =	stream.indirect_vreg.gather [hbm4b:s5+s3], $0x80, v3, vm0, $0xb8;
	[tilespmem:$0x18300] =	vst v63  }
0xce: {  	_ = 	snop  }
0xcf: {  	[tilespmem:s31], [sflag:$0x1] =	stream.indirect_vreg.gather [hbm4b:s6+s3], $0x80, v3, vm0, $0xb8;
	[tilespmem:$0x18300] =	vst v63  }
0xd0: {  	s1 =	simm.s32 $0x7B00  }
0xd1: {  	[tilespmem:s1], [sflag:$0x1] =	stream.indirect_vreg.gather [hbm4b:s7+s3], $0x80, v3, vm0, $0xb8;
	[tilespmem:$0x18300] =	vst v63  }
0xd2: {  	v3 =	vld [tilespmem:s15+$0xFFFFFFD0];
	_ =	sdelay $0x4  }
0xd3: {  	v60 =	vshll.u32 v3, $0x3  }
0xd4: {  	v3 =	vand.u32 $0x7, v3;
	v4 =	vand.u32 $0xFFFFFFC0, v60  }
0xd5: {  	v3 =	vor.u32 v3, v4  }
0xd6: {  	v4 =	vperm.xlane v3, v0;
	_ =	sdelay $0x1  }
0xd7: {  	v4 =	vadd.s32 v1, v4;
	_ =	sdelay $0x4  }
0xd8: {  	[tilespmem:s0], [sflag:$0x1] =	stream.indirect_vreg.gather [hbm4b:s2+s3], $0x80, v4, vm0, $0xb8;
	[tilespmem:$0x18300] =	vst v63  }
0xd9: {  	v3 =	vperm.xlane v3, v2  }
0xda: {  	[tilespmem:s4], [sflag:$0x1] =	stream.indirect_vreg.gather [hbm4b:s5+s3], $0x80, v4, vm0, $0xb8;
	[tilespmem:$0x18300] =	vst v63  }
0xdb: {  	v3 =	vadd.s32 v1, v3  }
0xdc: {  	[tilespmem:s8], [sflag:$0x1] =	stream.indirect_vreg.gather [hbm4b:s6+s3], $0x80, v4, vm0, $0xb8;
	[tilespmem:$0x18300] =	vst v63  }
0xdd: {  	_ = 	snop  }
0xde: {  	[tilespmem:s12], [sflag:$0x1] =	stream.indirect_vreg.gather [hbm4b:s7+s3], $0x80, v4, vm0, $0xb8;
	[tilespmem:$0x18300] =	vst v63  }
0xdf: {  	s1 =	simm.s32 $0xA300  }
0xe0: {  	[tilespmem:s1], [sflag:$0x1] =	stream.indirect_vreg.gather [hbm4b:s2+s3], $0x80, v3, vm0, $0xb8;
	[tilespmem:$0x18300] =	vst v63  }
0xe1: {  	s1 =	simm.s32 $0xAB00  }
0xe2: {  	[tilespmem:s1], [sflag:$0x1] =	stream.indirect_vreg.gather [hbm4b:s5+s3], $0x80, v3, vm0, $0xb8;
	[tilespmem:$0x18300] =	vst v63  }
0xe3: {  	s1 =	simm.s32 $0xB300  }
0xe4: {  	[tilespmem:s1], [sflag:$0x1] =	stream.indirect_vreg.gather [hbm4b:s6+s3], $0x80, v3, vm0, $0xb8;
	[tilespmem:$0x18300] =	vst v63  }
0xe5: {  	s1 =	simm.s32 $0xBB00  }
0xe6: {  	[tilespmem:s1], [sflag:$0x1] =	stream.indirect_vreg.gather [hbm4b:s7+s3], $0x80, v3, vm0, $0xb8;
	[tilespmem:$0x18300] =	vst v63  }
0xe7: {  	_ =	swait.ge [sflag:s14], $0xC000  }
0xe8: {  	[sflag:s14] =	ssyncset.done $0x0  }
0xe9: {  	[sflag:s14] =	ssyncadd.s32 $0xFFFF4000  }
0xea: {  	v3 =	vld [tilespmem:s15+$0xFFFFFFE0];
	_ =	sdelay $0x4  }
0xeb: {  	v61 =	vshll.u32 v3, $0x3  }
0xec: {  	v3 =	vand.u32 $0x7, v3;
	v4 =	vand.u32 $0xFFFFFFC0, v61  }
0xed: {  	v3 =	vor.u32 v3, v4  }
0xee: {  	v4 =	vperm.xlane v3, v0;
	_ =	sdelay $0x1  }
0xef: {  	v4 =	vadd.s32 v1, v4;
	_ =	sdelay $0x4  }
0xf0: {  	[tilespmem:s19], [sflag:$0x2] =	stream.indirect_vreg.gather [hbm4b:s2+s3], $0x80, v4, vm0, $0xb8;
	[tilespmem:$0x18300] =	vst v63  }
0xf1: {  	v3 =	vperm.xlane v3, v2;
	s19 =	simm.s32 $0xCB00  }
0xf2: {  	[tilespmem:s19], [sflag:$0x2] =	stream.indirect_vreg.gather [hbm4b:s5+s3], $0x80, v4, vm0, $0xb8;
	[tilespmem:$0x18300] =	vst v63  }
0xf3: {  	v3 =	vadd.s32 v1, v3;
	s19 =	simm.s32 $0xD300  }
0xf4: {  	[tilespmem:s19], [sflag:$0x2] =	stream.indirect_vreg.gather [hbm4b:s6+s3], $0x80, v4, vm0, $0xb8;
	[tilespmem:$0x18300] =	vst v63  }
0xf5: {  	s19 =	simm.s32 $0xDB00  }
0xf6: {  	[tilespmem:s19], [sflag:$0x2] =	stream.indirect_vreg.gather [hbm4b:s7+s3], $0x80, v4, vm0, $0xb8;
	[tilespmem:$0x18300] =	vst v63  }
0xf7: {  	s19 =	simm.s32 $0xE300  }
0xf8: {  	[tilespmem:s19], [sflag:$0x2] =	stream.indirect_vreg.gather [hbm4b:s2+s3], $0x80, v3, vm0, $0xb8;
	[tilespmem:$0x18300] =	vst v63  }
0xf9: {  	s19 =	simm.s32 $0xEB00  }
0xfa: {  	[tilespmem:s19], [sflag:$0x2] =	stream.indirect_vreg.gather [hbm4b:s5+s3], $0x80, v3, vm0, $0xb8;
	[tilespmem:$0x18300] =	vst v63  }
0xfb: {  	s19 =	simm.s32 $0xF300  }
0xfc: {  	[tilespmem:s19], [sflag:$0x2] =	stream.indirect_vreg.gather [hbm4b:s6+s3], $0x80, v3, vm0, $0xb8;
	[tilespmem:$0x18300] =	vst v63  }
0xfd: {  	s19 =	simm.s32 $0xFB00  }
0xfe: {  	[tilespmem:s19], [sflag:$0x2] =	stream.indirect_vreg.gather [hbm4b:s7+s3], $0x80, v3, vm0, $0xb8;
	[tilespmem:$0x18300] =	vst v63  }
0xff: {  	v3 =	vld [tilespmem:s15+$0xFFFFFFF0];
	_ =	sdelay $0x4  }
0x100: {  	v62 =	vshll.u32 v3, $0x3  }
0x101: {  	v3 =	vand.u32 $0x7, v3;
	v4 =	vand.u32 $0xFFFFFFC0, v62  }
0x102: {  	v3 =	vor.u32 v3, v4  }
0x103: {  	v4 =	vperm.xlane v3, v0;
	_ =	sdelay $0x1  }
0x104: {  	v4 =	vadd.s32 v1, v4;
	_ =	sdelay $0x3  }
0x105: {  	s19 =	simm.s32 $0x10300  }
0x106: {  	[tilespmem:s19], [sflag:$0x2] =	stream.indirect_vreg.gather [hbm4b:s2+s3], $0x80, v4, vm0, $0xb8;
	[tilespmem:$0x18300] =	vst v63  }
0x107: {  	v3 =	vperm.xlane v3, v2;
	s19 =	simm.s32 $0x10B00  }
0x108: {  	[tilespmem:s19], [sflag:$0x2] =	stream.indirect_vreg.gather [hbm4b:s5+s3], $0x80, v4, vm0, $0xb8;
	[tilespmem:$0x18300] =	vst v63  }
0x109: {  	v3 =	vadd.s32 v1, v3;
	s19 =	simm.s32 $0x11300  }
0x10a: {  	[tilespmem:s19], [sflag:$0x2] =	stream.indirect_vreg.gather [hbm4b:s6+s3], $0x80, v4, vm0, $0xb8;
	[tilespmem:$0x18300] =	vst v63  }
0x10b: {  	s19 =	simm.s32 $0x11B00  }
0x10c: {  	[tilespmem:s19], [sflag:$0x2] =	stream.indirect_vreg.gather [hbm4b:s7+s3], $0x80, v4, vm0, $0xb8;
	[tilespmem:$0x18300] =	vst v63  }
0x10d: {  	s19 =	simm.s32 $0x12300  }
0x10e: {  	[tilespmem:s19], [sflag:$0x2] =	stream.indirect_vreg.gather [hbm4b:s2+s3], $0x80, v3, vm0, $0xb8;
	[tilespmem:$0x18300] =	vst v63  }
0x10f: {  	s19 =	simm.s32 $0x12B00  }
0x110: {  	[tilespmem:s19], [sflag:$0x2] =	stream.indirect_vreg.gather [hbm4b:s5+s3], $0x80, v3, vm0, $0xb8;
	[tilespmem:$0x18300] =	vst v63  }
0x111: {  	s19 =	simm.s32 $0x13300  }
0x112: {  	[tilespmem:s19], [sflag:$0x2] =	stream.indirect_vreg.gather [hbm4b:s6+s3], $0x80, v3, vm0, $0xb8;
	[tilespmem:$0x18300] =	vst v63  }
0x113: {  	s19 =	simm.s32 $0x13B00  }
0x114: {  	[tilespmem:s19], [sflag:$0x2] =	stream.indirect_vreg.gather [hbm4b:s7+s3], $0x80, v3, vm0, $0xb8;
	[tilespmem:$0x18300] =	vst v63  }
0x115: {  	v3 =	vld [tilespmem:s15+$0x0];
	_ =	sdelay $0x4  }
0x116: {  	v63 =	vshll.u32 v3, $0x3  }
0x117: {  	v3 =	vand.u32 $0x7, v3;
	v4 =	vand.u32 $0xFFFFFFC0, v63  }
0x118: {  	v3 =	vor.u32 v3, v4  }
0x119: {  	v4 =	vperm.xlane v3, v0;
	_ =	sdelay $0x1  }
0x11a: {  	v4 =	vadd.s32 v1, v4;
	_ =	sdelay $0x3  }
0x11b: {  	s19 =	simm.s32 $0x14300  }
0x11c: {  	[tilespmem:s19], [sflag:$0x2] =	stream.indirect_vreg.gather [hbm4b:s2+s3], $0x80, v4, vm0, $0xb8;
	[tilespmem:$0x18300] =	vst v63  }
0x11d: {  	v3 =	vperm.xlane v3, v2;
	s19 =	simm.s32 $0x14B00  }
0x11e: {  	[tilespmem:s19], [sflag:$0x2] =	stream.indirect_vreg.gather [hbm4b:s5+s3], $0x80, v4, vm0, $0xb8;
	[tilespmem:$0x18300] =	vst v63  }
0x11f: {  	v3 =	vadd.s32 v1, v3;
	s19 =	simm.s32 $0x15300  }
0x120: {  	[tilespmem:s19], [sflag:$0x2] =	stream.indirect_vreg.gather [hbm4b:s6+s3], $0x80, v4, vm0, $0xb8;
	[tilespmem:$0x18300] =	vst v63  }
0x121: {  	s19 =	simm.s32 $0x15B00  }
0x122: {  	[tilespmem:s19], [sflag:$0x2] =	stream.indirect_vreg.gather [hbm4b:s7+s3], $0x80, v4, vm0, $0xb8;
	[tilespmem:$0x18300] =	vst v63  }
0x123: {  	s19 =	simm.s32 $0x16300  }
0x124: {  	[tilespmem:s19], [sflag:$0x2] =	stream.indirect_vreg.gather [hbm4b:s2+s3], $0x80, v3, vm0, $0xb8;
	[tilespmem:$0x18300] =	vst v63  }
0x125: {  	p0 =	sne.s32 s16, $0x12000  }
0x126: {  	[tilespmem:s21], [sflag:$0x2] =	stream.indirect_vreg.gather [hbm4b:s5+s3], $0x80, v3, vm0, $0xb8;
	[tilespmem:$0x18300] =	vst v63  }
.Ltmp0:
0x127: {  	_ = 	snop;
	(pc) =	sbr.rel @p0 .LBB2_2-.Ltmp0, $4  }
0x128: {  	s10 =	simm.s32 $0x300  }
0x129: {  	[tilespmem:s23], [sflag:$0x2] =	stream.indirect_vreg.gather [hbm4b:s6+s3], $0x80, v3, vm0, $0xb8;
	[tilespmem:$0x18300] =	vst v63  }
0x12a: {  	s16 =	sadd.s32 $0x3000, s16;
	s1 =	simm.s32 $0xC300;
	s15 =	sadd.s32 $0x60, s15  }
0x12b: {  	[tilespmem:s25], [sflag:$0x2] =	stream.indirect_vreg.gather [hbm4b:s7+s3], $0x80, v3, vm0, $0xb8;
	[tilespmem:$0x18300] =	vst v63  }
0x12c: {  	_ =	swait.ge [sflag:s9], $0xC000  }
0x12d: {  	[sflag:s9] =	ssyncset.done $0x0  }
0x12e: {  	s15 =	rddreg [dreg:$0x5];
	[sflag:s9] =	ssyncadd.s32 $0xFFFF4000  }
0x12f: {  	[hbm4b:s15+s3] =	stream.linear.scatter [tilespmem:s10], [sflag:$0x3], $0xC000, $0x38;
	[tilespmem:$0x18300] =	vst v63  }
0x130: {  	_ =	swait.ge [sflag:s11], $0xC000  }
0x131: {  	[sflag:s11] =	ssyncset.done $0x0  }
0x132: {  	s25 =	rddreg [dreg:$0x6];
	[sflag:s11] =	ssyncadd.s32 $0xFFFF4000  }
0x133: {  	[hbm4b:s25+s3] =	stream.linear.scatter [tilespmem:s1], [sflag:$0x4], $0xC000, $0x38;
	[tilespmem:$0x18300] =	vst v63  }
0x134: {  	_ =	swait.ge [sflag:s13], $0xC000  }
0x135: {  	[sflag:s13] =	ssyncset.done $0x0  }
0x136: {  	[sflag:s13] =	ssyncadd.s32 $0xFFFF4000  }
0x137: {  	s16 =	simm.s32 $0x1300;
	s18 =	simm.s32 $0x1B00;
	_ =	swait.ge [sflag:s14], $0xC000  }
0x138: {  	s19 =	simm.s32 $0x2300;
	s20 =	simm.s32 $0x2B00;
	s0 =	rddreg [dreg:$0x8]  }
0x139: {  	s21 =	simm.s32 $0x3300;
	s26 =	rddreg [dreg:$0x7];
	s0 =	sadd.s32 $0x1, s0  }
0x13a: {  	s22 =	simm.s32 $0x3B00;
	s23 =	simm.s32 $0x4300;
	p0 =	sne.s32 s0, s26  }
.Ltmp1:
0x13b: {  	s24 =	simm.s32 $0x4B00;
	s28 =	simm.s32 $0x6300;
	(pc) =	sbr.rel @p0 .LBB2_1-.Ltmp1, $4  }
0x13c: {  	s29 =	simm.s32 $0x6B00;
	s30 =	simm.s32 $0x7300;
	s31 =	simm.s32 $0x7B00  }
0x13d: {  	s4 =	simm.s32 $0x8B00;
	s8 =	simm.s32 $0x9300;
	[sflag:s14] =	ssyncset.done $0x0  }
0x13e: {  	s12 =	simm.s32 $0x9B00;
	s25 =	simm.s32 $0x5300;
	[sflag:s14] =	ssyncadd.s32 $0xFFFF4000  }
0x13f: {  	[dreg:$0x8] =	wrdreg s0;
	s26 =	simm.s32 $0x5B00;
	s0 =	simm.s32 $0x8300  }
0x140: {  	_ =	sfence.sel $0x180000  }
0x141: {  	[bflag:$0x0] =	sbarrier.arrive $0xFFFF  }
0x142: {  	_ =	strace $0x90000047  }
0x143: {  	s0 =	stileid.u32;
	[bflag:$0x2] =	sbarrier.arrive $0xFFFF  }
0x144: {  	p0 =	sne.s32 s0, $0x0;
	s0 =	rddreg [dreg:$0x2]  }
0x145: {  	s0 =	sadd.s32 @!p0 $0x100000, s0  }
0x146: {  	[sflag:s0] =	ssyncadd.tile.s32 @!p0 $0x1;
	_ =	shalt  }
.Lfunc_end2:
_tile_overlayer_lowered:
.L_overlay_start_2:
0x147: {  	(tag) =	ssettag $0x2  }
0x148: {  	s0 =	rddreg [dreg:$0x0];
	s2 =	stileid.u32  }
0x149: {  	s1 =	rddreg [dreg:$0x1];
	p0 =	sne.s32 s2, $0x0  }
0x14a: {  	s3 =	rddreg [dreg:$0x2];
	[bflag:$0x3] =	sbarrier.arrive $0xFFFF;
	s2 =	simm.s32 @!p0 $0x1C05  }
0x14b: {  	[timem:s3], [sflag:s2] =	dma.local @!p0 [hbm:s0], s1  }
0x14c: {  	s0 =	simm.s32 @!p0 $0x5  }
0x14d: {  	_ =	swait.ge @!p0 [sflag:s0], s1  }
0x14e: {  	s1 =	ssub.s32 @!p0 $0x0, s1;
	[sflag:s0] =	ssyncset.done @!p0 $0x0  }
0x14f: {  	[sflag:s0] =	ssyncadd.s32 @!p0 s1  }
0x150: {  	[bflag:$0x3] =	sbarrier.arrive $0xFFFF  }
0x151: {  	_ =	shalt  }

// kernel: sparse-core-data-format-call.cloned.1.call-start
scs
called_computation_lowered:
.L_overlay_start_0:
0x0: {  	s2 =	sld [smem:$0x3FD9]  }
0x1: {  	s3 =	sld [smem:$0x3FFE];
	_ =	sdelay $0x1  }
0x2: {  	s1 =	srdreg.scid  }
0x3: {  	s0 =	sand.u32 $0x1, s1  }
0x4: {  	s18 =	sshll.u32 s0, $0xA;
	s2 =	sadd.s32 s3, s2  }
0x5: {  	s2 =	sadd.s32 s2, s18  }
0x6: {  	[smem:$0x3FC6] =	sst s2  }
0x7: {  	_ = 	snop  }
0x8: {  	s2 =	sld [smem:$0x3FD0];
	(tm) =	ssettm $0x1  }
0x9: {  	s19 =	sld [smem:$0x3FFB];
	_ =	sdelay $0x3  }
0xa: {  	_ =	strace s19  }
0xb: {  	s3 =	sld [smem:$0x3FFC];
	_ =	sdelay $0x3  }
0xc: {  	_ =	strace s3  }
0xd: {  	s3 =	sld [smem:$0x3FFD];
	_ =	sdelay $0x3  }
0xe: {  	_ =	strace s3  }
0xf: {  	_ =	strace $0x8FFFFFFF  }
0x10: {  	s20 =	sld [smem:$0x3FDB];
	_ =	sdelay $0x1  }
0x11: {  	s4 =	simm.s32 $_scs_section_size  }
0x12: {  	s5 =	simm.s32 $_size__tile_overlayer_lowered;
	s6 =	simm.s32 $_tile_overlayer_lowered  }
0x13: {  	s23 =	simm.s32 $0x1BFF;
	s22 =	sshll.u32 s6, $0x1;
	s3 =	sadd.s32 s4, s20  }
0x14: {  	s7 =	simm.s32 $0x0;
	s21 =	sshll.u32 s5, $0x1;
	s5 =	sadd.s32 s22, s3  }
0x15: {  	[timem:s7], [sflag:s23] =	dma.local [hbm:s5], s21  }
0x16: {  	_ =	swait.ge [sflag:s23], s21  }
0x17: {  	s4 =	ssub.s32 $0x0, s21;
	[sflag:s23] =	ssyncset.done $0x0  }
0x18: {  	[sflag:s23] =	ssyncadd.s32 s4;
	_ =	sdelay $0x1  }
0x19: {  	s24 =	simm.s32 $0x1B8B  }
0x1a: {  	_ =	swait.ge [sflag:s24], $0x1  }
0x1b: {  	[sflag:s24] =	ssyncset.done $0x0  }
0x1c: {  	s26 =	simm.s32 $0x1B8E;
	s25 =	sld [smem:$0x3FFE];
	[sflag:s24] =	ssyncadd.s32 $0xFFFFFFFF  }
0x1d: {  	s27 =	simm.s32 $execute0_lowered;
	[smem:$0x3FD2] =	sst s26  }
0x1e: {  	s5 =	sshll.u32 s27, $0x1;
	_ =	strace $0x80000049;
	[dreg:$0x1] =	wrdreg $0xFFFFFFFF  }
0x1f: {  	s28 =	simm.s32 $_size_execute0_lowered;
	s3 =	sadd.s32 s3, s5;
	[dreg:$0x0] =	wrdreg $0x0  }
0x20: {  	s5 =	sshll.u32 s28, $0x1;
	[dreg:$0x2] =	wrdreg s3  }
0x21: {  	[dreg:$0x3] =	wrdreg s5  }
0x22: {  	[dreg:$0x4] =	wrdreg $0xC0  }
0x23: {  	_ =	task [dreg:s7], $0x5FFFF  }
0x24: {  	[dreg:$0x1] =	wrdreg $0xFFFFFFFF  }
0x25: {  	[dreg:$0x0] =	wrdreg $0x60  }
0x26: {  	[dreg:$0x2] =	wrdreg s25  }
0x27: {  	[dreg:$0x3] =	wrdreg s2  }
0x28: {  	[dreg:$0x4] =	wrdreg $0x9  }
0x29: {  	_ =	task.clear_ibuf [dreg:s7], $0x5FFFF;
	_ =	strace $0x90000049  }
0x2a: {  	s29 =	simm.s32 $0x9;
	_ =	strace $0x8000004B  }
0x2b: {  	_ =	swait.ge [sflag:s29], $0x1  }
0x2c: {  	[sflag:s29] =	ssyncadd.s32 $0xFFFFFFFF  }
0x2d: {  	_ =	strace $0x9000004B  }
0x2e: {  	_ =	sfence  }
0x2f: {  	s30 =	sld [smem:$0x0];
	_ =	sdelay $0x2  }
0x30: {  	s31 =	sshll.u32 s1, $0xD;
	s1 =	sshrl.u32 s1, $0x2  }
0x31: {  	s3 =	sand.u32 $0x4000, s31;
	s1 =	sadd.s32 s1, s30  }
0x32: {  	s0 =	sor.u32 s3, s0;
	s1 =	sshll.u32 s1, $0x11  }
0x33: {  	s0 =	sor.u32 s1, s0  }
0x34: {  	s0 =	sadd.s32 $0x8F2B, s0  }
0x35: {  	[sflag:s0] =	ssyncadd.remote.s32 $0x1  }
0x36: {  	_ =	sfence.sel $0xFFFF  }
0x37: {  	[dreg:$0x0] =	wrdreg $0xFFFFFFFF;
	(pc) =	sbr.abs _section_cstart, $3  }
0x38: {  	[dreg:$0x1] =	wrdreg $0xFFFFFFFF  }
0x39: {  	_ =	task.clear_ibuf [dreg:s7], $0x2FFFF;
	_ =	strace $0x9FFFFFFF  }
0x3a: {  	(tm) =	ssettm $0x7FFFFFFF  }
0x3b: {  	_ =	shalt  }
tec
execute0_lowered:
.L_overlay_start_1:
0x0: {  	(tag) =	ssettag $0x1  }
0x1: {  	s4 =	rddreg [dreg:$0x0]  }
0x2: {  	s0 =	stileid.u32;
	s2 =	rddreg [dreg:$0x1]  }
0x3: {  	s7 =	srdreg.scid;
	s31 =	simm.s32 $0x2;
	s17 =	simm.s32 $0x0  }
0x4: {  	s9 =	simm.s32 $0x2000;
	s19 =	simm.s32 $0x0;
	s18 =	simm.s32 $0x0  }
0x5: {  	s10 =	simm.s32 $0x0;
	s11 =	simm.s32 $0x0;
	s1 =	sshll.u32 s0, $0x7  }
0x6: {  	s12 =	simm.s32 $0x0;
	s14 =	simm.s32 $0x0;
	s3 =	sand.u32 $0x380, s1  }
0x7: {  	s16 =	simm.s32 $0x0;
	s4 =	sadd.s32 $0x1400, s4;
	s5 =	ssub.s32 $0x400, s3  }
0x8: {  	s8 =	sshll.u32 s0, $0x4;
	s7 =	sshll.u32 s7, $0x8;
	s6 =	sand.u32 $0x380, s5  }
0x9: {  	s1 =	rddreg [dreg:$0x2];
	p0 =	sne.s32 s6, $0x0;
	s6 =	simm.s32 $0x1  }
.Ltmp0:
0xa: {  	s5 =	sshrl.u32 s5, $0xA;
	s6 =	simm.s32 @!p0 $0x0;
	(pc) =	sbr.rel .LBB1_1-.Ltmp0, $4  }
0xb: {  	_ =	strace $0x8000004A;
	s7 =	sor.u32 s8, s7;
	s6 =	sadd.s32 s6, s5  }
0xc: {  	s7 =	sand.u32 $0x180, s7;
	s5 =	simm.s32 $0x1;
	s6 =	smul.u32 $0x28, s6  }
0xd: {  	s15 =	smov.u32 s3;
	s13 =	smov.u32 s7;
	[sflag:s5] =	ssyncpa.u1 $0x0  }
0xe: {  	p0 =	por $0x0, $0x0;
	[sflag:s31] =	ssyncpa.u1 $0x0;
	s8 =	sor.u32 $0x1, s6  }
.LBB1_4:
0xf: {  	s25 =	sshll.u32 s10, $0xA;
	s24 =	sshra.s32 s24, $0x2;
	s26 =	sshll.u32 s12, $0x3  }
0x10: {  	p1 =	sgt.s32 s11, $0x13;
	s27 =	smov.u32 s11;
	s28 =	sshra.s32 s11, $0x1F  }
0x11: {  	p2 =	sgt.s32 s12, $0x380;
	s31 =	sshra.s32 s12, $0x1F;
	s25 =	sand.u32 $0xFFFFE000, s25  }
0x12: {  	s26 =	sand.u32 $0xFFFFFC00, s26;
	s27 =	simm.s32 @!p1 $0x13;
	s28 =	sand.u32 s28, s11  }
0x13: {  	[tilespmem:s22+$0x2040 ss:$0x81] =	vst.msk $0xffff, v4;
	s23 =	sadd.s32 s24, s23;
	s29 =	sadd.s32 s26, s25;
	s25 =	ssub.s32 s27, s28  }
0x14: {  	[tilespmem:s22+$0x2850 ss:$0x81] =	vst.msk $0xffff, v3;
	s27 =	smov.u32 s12;
	s28 =	smov.u32 s10;
	s26 =	sand.u32 s31, s12  }
0x15: {  	[tilespmem:s22+$0x3060 ss:$0x81] =	vst.msk $0xffff, v2;
	s24 =	sshrl.u32 s29, $0xA;
	s30 =	sadd.s32 $0xFFFFFFED, s25;
	s27 =	simm.s32 @!p2 $0x380  }
0x16: {  	v5 =	vld [tilespmem:s21+$0xFFFFFFD0];
	[tilespmem:s22+$0x0 ss:$0x81] =	vst.msk $0xffff, v1;
	p2 =	sgt.s32 s10, $0x368;
	s29 =	sshra.s32 s10, $0x1F;
	s22 =	ssub.s32 $0x14, s25  }
0x17: {  	v58 =	vld [tilespmem:s21+$0xFFFFFFE0];
	p1 =	sgt.s32 s30, $0x0;
	s28 =	simm.s32 @!p2 $0x368;
	s29 =	sand.u32 s29, s10  }
0x18: {  	v59 =	vld [tilespmem:s21+$0xFFFFFFF0];
	s26 =	ssub.s32 s27, s26;
	s27 =	smulhi.u32 $0x418938, s24;
	s28 =	ssub.s32 s28, s29  }
0x19: {  	v60 =	vld [tilespmem:s21+$0x0];
	s30 =	sadd.s32 $0xFFFFFC80, s26;
	s25 =	ssub.s32 $0x400, s26;
	s22 =	simm.s32 @p1 $0x0  }
0x1a: {  	v61 =	vld [tilespmem:s21+$0x10];
	[tilespmem:s23+$0x3870 ss:$0x81] =	vst.msk $0xffff, v0;
	s29 =	sand.u32 $0x78, s12;
	p2 =	sgt.s32 s30, $0x7F;
	s31 =	sadd.s32 $0xFFFFFC98, s28  }
0x1b: {  	v62 =	vld [tilespmem:s21+$0x20];
	[tilespmem:s23+$0x810 ss:$0x81] =	vst.msk $0xffff, v5;
	s27 =	smul.u32 $0x3E8, s27;
	s30 =	sshll.u32 s10, $0x7;
	s28 =	ssub.s32 $0x3E8, s28  }
0x1c: {  	v63 =	vld [tilespmem:s21+$0xFFFFFFC0];
	[tilespmem:s23+$0x1020 ss:$0x81] =	vst.msk $0xffff, v58;
	s25 =	simm.s32 @p2 $0x0;
	p1 =	sgt.s32 s31, $0x7F;
	s31 =	smul.u32 $0x1F400, s11  }
0x1d: {  	[tilespmem:s23+$0x1830 ss:$0x81] =	vst.msk $0xffff, v59;
	s21 =	sand.u32 $0x380, s30;
	s22 =	smul.u32 s25, s22;
	s28 =	simm.s32 @p1 $0x0  }
0x1e: {  	[tilespmem:s23+$0x2040 ss:$0x81] =	vst.msk $0xffff, v60;
	s21 =	sor.u32 s29, s21;
	s24 =	ssub.s32 s24, s27;
	s29 =	sand.u32 $0x7, s12  }
0x1f: {  	[tilespmem:s23+$0x2850 ss:$0x81] =	vst.msk $0xffff, v61;
	s21 =	sshrl.u32 s21, $0x3;
	s25 =	sadd.s32 s2, s31;
	s22 =	smul.u32 s28, s22  }
0x20: {  	[tilespmem:s23+$0x3060 ss:$0x81] =	vst.msk $0xffff, v62;
	s24 =	sshll.u32 s24, $0x7;
	s30 =	sshll.u32 s29, $0x12;
	s21 =	sadd.s32 s21, s25  }
0x21: {  	[tilespmem:s23+$0x0 ss:$0x81] =	vst.msk $0xffff, v63;
	s31 =	sor.u32 $0x400, s30;
	s21 =	sadd.s32 s24, s21;
	s22 =	sand.u32 $0x3FFFFFFF, s22  }
0x22: {  	[hbm4b:s21+s31] =	stream.strided.scatter [tilespmem:s20], [sflag:$0x2], s22, s9, s31, $0x20;
	[tilespmem:$0x10100] =	vst v63  }
.LBB1_5:
0x23: {  	p1 =	slt.u32 s16, $0x2  }
0x24: {  	p2 =	sgt.s32 @!p1 s19, $0x13  }
0x25: {  	s20 =	smov.u32 s19;
	s21 =	sshra.s32 @!p1 s19, $0x1F;
	p2 =	por !p2, p1  }
0x26: {  	s19 =	sand.u32 @!p1 s21, s19;
	s20 =	simm.s32 @p2 $0x13  }
0x27: {  	p3 =	sgt.s32 @!p1 s17, $0x368;
	s19 =	ssub.s32 @!p1 s20, s19  }
0x28: {  	p4 =	sgt.s32 @!p1 s18, $0x380;
	s22 =	sshra.s32 @!p1 s18, $0x1F;
	s20 =	sadd.s32 @!p1 $0xFFFFFFED, s19  }
0x29: {  	s21 =	smov.u32 s17;
	p2 =	sgt.s32 @!p1 s20, $0x0;
	s20 =	sshra.s32 @!p1 s17, $0x1F  }
0x2a: {  	p4 =	por !p4, p1;
	s17 =	sand.u32 @!p1 s20, s17;
	s20 =	smov.u32 s18  }
0x2b: {  	p3 =	por !p3, p1;
	s18 =	sand.u32 @!p1 s22, s18;
	s20 =	simm.s32 @p4 $0x380  }
0x2c: {  	s21 =	simm.s32 @p3 $0x368;
	s19 =	ssub.s32 @!p1 $0x14, s19;
	s18 =	ssub.s32 @!p1 s20, s18  }
0x2d: {  	p2 =	por !p2, p1;
	s17 =	ssub.s32 @!p1 s21, s17;
	s21 =	sadd.s32 @!p1 $0xFFFFFC80, s18  }
0x2e: {  	s19 =	simm.s32 @!p2 $0x0;
	p3 =	sgt.s32 @!p1 s21, $0x7F  }
0x2f: {  	s20 =	sadd.s32 @!p1 $0xFFFFFC98, s17;
	s18 =	ssub.s32 @!p1 $0x400, s18;
	p3 =	por !p3, p1  }
0x30: {  	p2 =	sgt.s32 @!p1 s20, $0x7F;
	s20 =	sadd.s32 $0x200, s13;
	s18 =	simm.s32 @!p3 $0x0  }
0x31: {  	p3 =	sgt.s32 s20, $0x3E7;
	s18 =	smul.u32 @!p1 s18, s19;
	s19 =	simm.s32 $0x1  }
0x32: {  	s17 =	ssub.s32 @!p1 $0x3E8, s17;
	p2 =	por !p2, p1;
	s19 =	simm.s32 @!p3 $0x0  }
0x33: {  	s22 =	smov.u32 s15;
	s17 =	simm.s32 @!p2 $0x0;
	s21 =	sadd.s32 s19, s14  }
0x34: {  	s17 =	smul.u32 @!p1 s17, s18;
	s18 =	sadd.s32 $0x400, s15;
	p2 =	sgt.s32 s21, $0x13  }
0x35: {  	p0 =	por !p0, !p0;
	s23 =	simm.s32 @!p1 $0x2;
	s22 =	smov.u32 @p2 s18  }
0x36: {  	s20 =	smov.u32 @p3 s7;
	s21 =	simm.s32 @p2 $0x0;
	p2 =	sgt.s32 s22, $0x3FF  }
0x37: {  	s19 =	smov.u32 s11;
	s22 =	smov.u32 @p2 s3;
	p2 =	sne.s32 s16, s8  }
.Ltmp1:
0x38: {  	s11 =	smov.u32 s14;
	s17 =	sand.u32 @!p1 $0x3FFFFFFF, s17;
	(pc) =	sbr.rel @!p2 .LBB1_6-.Ltmp1, $4  }
0x39: {  	s18 =	smov.u32 s12;
	s12 =	smov.u32 s15;
	_ =	swait.ge @!p1 [sflag:s23], s17  }
0x3a: {  	s24 =	ssub.s32 @!p1 $0x0, s17;
	s17 =	smov.u32 s10;
	s10 =	smov.u32 s13  }
0x3b: {  	s13 =	smov.u32 s20;
	s14 =	smov.u32 s21;
	[sflag:s23] =	ssyncset.done @!p1 $0x0  }
0x3c: {  	s16 =	sadd.s32 $0x1, s16;
	[sflag:s23] =	ssyncadd.s32 @!p1 s24;
	s15 =	smov.u32 s22  }
.LBB1_1:
0x3d: {  	p1 =	sge.u32 s16, s6  }
0x3e: {  	s20 =	sshll.u32 @!p1 s14, $0xA  }
0x3f: {  	s21 =	sshll.u32 @!p1 s13, $0x3;
	s20 =	sand.u32 @!p1 $0xFFFFE000, s20  }
0x40: {  	s20 =	sadd.s32 @!p1 s20, s21  }
0x41: {  	s20 =	sshrl.u32 @!p1 s20, $0xA  }
0x42: {  	s21 =	smulhi.u32 @!p1 $0xAAAAAAB, s20  }
0x43: {  	s22 =	sshll.u32 @!p1 s14, $0x7;
	s24 =	smul.u32 @!p1 $0xC00, s15  }
0x44: {  	s23 =	sand.u32 @!p1 $0x78, s13;
	s22 =	sand.u32 @!p1 $0x380, s22;
	s21 =	smul.u32 @!p1 $0x18, s21  }
0x45: {  	s31 =	sadd.s32 $0xFFFFFFFF, s16;
	s22 =	sor.u32 @!p1 s23, s22;
	s23 =	sadd.s32 @!p1 s4, s24  }
0x46: {  	s22 =	sshrl.u32 @!p1 s22, $0x3;
	s20 =	ssub.s32 @!p1 s20, s21;
	s21 =	sxor.u32 @!p1 $0xFFFFFFFF, s16  }
0x47: {  	s22 =	sadd.s32 @!p1 s22, s23;
	s23 =	sand.u32 @!p1 $0x7, s13;
	s21 =	sshll.u32 @!p1 s21, $0xE  }
0x48: {  	s23 =	sshll.u32 @!p1 s23, $0x12;
	s20 =	sshll.u32 @!p1 s20, $0x7;
	s21 =	sand.u32 @!p1 $0x4000, s21  }
0x49: {  	s20 =	sadd.s32 @!p1 s20, s22;
	s22 =	sor.u32 @!p1 $0x80, s23;
	s23 =	simm.s32 @!p1 $0x6000  }
0x4a: {  	[tilespmem:s21], [sflag:$0x1] =	stream.strided.gather @!p1 [hbm4b:s20+s22], $0x4000, s23, s22, $0x38;
	[tilespmem:$0x10100] =	vst v63  }
0x4b: {  	p1 =	sge.u32 s31, s6  }
.Ltmp2:
0x4c: {  	_ = 	snop;
	(pc) =	sbr.rel @p1 .LBB1_5-.Ltmp2, $1  }
0x4d: {  	_ =	sdelay $0x3  }
0x4e: {  	s20 =	simm.s32 $0x1  }
0x4f: {  	_ =	swait.ge [sflag:s5], $0x4000;
	s20 =	simm.s32 @!p0 $0x0  }
0x50: {  	[sflag:s5] =	ssyncset.done $0x0;
	s21 =	sshll.u32 s20, $0xE  }
0x51: {  	[sflag:s5] =	ssyncadd.s32 $0xFFFFC000;
	s21 =	sor.u32 $0x40, s21  }
0x52: {  	s20 =	smul.u32 $0x10200, s20;
	v0 =	vld [tilespmem:s21+$0x30]  }
0x53: {  	v1 =	vld [tilespmem:s21+$0xFFFFFFD0]  }
0x54: {  	s20 =	sshrl.u32 s20, $0x2;
	v5 =	vld [tilespmem:s21+$0xFFFFFFE0]  }
0x55: {  	v6 =	vld [tilespmem:s21+$0xFFFFFFF0];
	s23 =	sor.u32 $0x8000, s20  }
0x56: {  	s31 =	sand.u32 $0x1, s16;
	v4 =	vld [tilespmem:s21+$0x0];
	s22 =	sadd.s32 $0x0, s23  }
0x57: {  	v3 =	vld [tilespmem:s21+$0x10];
	s20 =	smul.u32 $0x10200, s31;
	[tilespmem:s22+$0x3870 ss:$0x81] =	vst.msk $0xffff, v0  }
0x58: {  	v2 =	vld [tilespmem:s21+$0x20];
	[tilespmem:s22+$0x810 ss:$0x81] =	vst.msk $0xffff, v1  }
0x59: {  	s20 =	sshrl.u32 s20, $0x2;
	v1 =	vld [tilespmem:s21+$0xFFFFFFC0];
	[tilespmem:s22+$0x1020 ss:$0x81] =	vst.msk $0xffff, v5;
	s21 =	sadd.s32 $0x80, s21  }
0x5a: {  	s24 =	simm.s32 $0x4;
	s25 =	simm.s32 $0x8;
	s20 =	sor.u32 $0x8000, s20;
	[tilespmem:s22+$0x1830 ss:$0x81] =	vst.msk $0xffff, v6;
	v0 =	vld [tilespmem:s21+$0x30]  }
.LBB1_3:
0x5b: {  	p1 =	sne.s32 s25, $0x1FC;
	v5 =	vld [tilespmem:s21+$0xFFFFFFD0];
	[tilespmem:s22+$0x2040 ss:$0x81] =	vst.msk $0xffff, v4  }
0x5c: {  	v6 =	vld [tilespmem:s21+$0xFFFFFFE0];
	[tilespmem:s22+$0x2850 ss:$0x81] =	vst.msk $0xffff, v3  }
0x5d: {  	s26 =	sshra.s32 s24, $0x2;
	s24 =	smov.u32 s25;
	v7 =	vld [tilespmem:s21+$0xFFFFFFF0];
	[tilespmem:s22+$0x3060 ss:$0x81] =	vst.msk $0xffff, v2  }
.Ltmp3:
0x5e: {  	v4 =	vld [tilespmem:s21+$0x0];
	[tilespmem:s22+$0x0 ss:$0x81] =	vst.msk $0xffff, v1;
	s22 =	sadd.s32 s26, s23;
	(pc) =	sbr.rel @p1 .LBB1_3-.Ltmp3, $4  }
0x5f: {  	v3 =	vld [tilespmem:s21+$0x10];
	[tilespmem:s22+$0x3870 ss:$0x81] =	vst.msk $0xffff, v0  }
0x60: {  	[tilespmem:s22+$0x810 ss:$0x81] =	vst.msk $0xffff, v5;
	v2 =	vld [tilespmem:s21+$0x20]  }
0x61: {  	v1 =	vld [tilespmem:s21+$0xFFFFFFC0];
	[tilespmem:s22+$0x1020 ss:$0x81] =	vst.msk $0xffff, v6;
	s21 =	sadd.s32 $0x80, s21  }
0x62: {  	s25 =	sadd.s32 $0x4, s25;
	v0 =	vld [tilespmem:s21+$0x30];
	[tilespmem:s22+$0x1830 ss:$0x81] =	vst.msk $0xffff, v7  }
.Ltmp4:
0x63: {  	_ = 	snop;
	(pc) =	sbr.rel .LBB1_4-.Ltmp4, $1  }
0x64: {  	_ =	sdelay $0x3  }
.LBB1_6:
0x65: {  	_ =	sfence.sel $0x180000  }
0x66: {  	s2 =	simm.s32 $0x1;
	[bflag:$0x0] =	sbarrier.arrive $0xFFFF  }
0x67: {  	s31 =	simm.s32 $0x2;
	[sflag:s2] =	ssyncpa.u1 $0x1  }
0x68: {  	[sflag:s31] =	ssyncpa.u1 $0x1  }
0x69: {  	p0 =	sne.s32 s0, $0x0;
	_ =	strace $0x9000004A  }
0x6a: {  	s0 =	sadd.s32 @!p0 $0x100000, s1;
	[bflag:$0x2] =	sbarrier.arrive $0xFFFF  }
0x6b: {  	[sflag:s0] =	ssyncadd.tile.s32 @!p0 $0x1;
	_ =	shalt  }
.Lfunc_end1:
_tile_overlayer_lowered:
.L_overlay_start_2:
0x6c: {  	(tag) =	ssettag $0x2  }
0x6d: {  	s0 =	rddreg [dreg:$0x0];
	s2 =	stileid.u32  }
0x6e: {  	s1 =	rddreg [dreg:$0x1];
	p0 =	sne.s32 s2, $0x0  }
0x6f: {  	s3 =	rddreg [dreg:$0x2];
	[bflag:$0x3] =	sbarrier.arrive $0xFFFF;
	s2 =	simm.s32 @!p0 $0x1C01  }
0x70: {  	[timem:s3], [sflag:s2] =	dma.local @!p0 [hbm:s0], s1  }
0x71: {  	s0 =	simm.s32 @!p0 $0x1  }
0x72: {  	_ =	swait.ge @!p0 [sflag:s0], s1  }
0x73: {  	s1 =	ssub.s32 @!p0 $0x0, s1;
	[sflag:s0] =	ssyncset.done @!p0 $0x0  }
0x74: {  	[sflag:s0] =	ssyncadd.s32 @!p0 s1  }
0x75: {  	[bflag:$0x3] =	sbarrier.arrive $0xFFFF  }
0x76: {  	_ =	shalt  }

</sc_bundles>
